<compile_context>
chip_gen: v7x
topology: tpu7x:2x2x1
jax: 0.10.2.dev20260603
libtpu: 0.0.44.dev20260713+nightly
codegen_flags: <defaults>
</compile_context>

<pallas_src>
import jax
import jax.numpy as jnp
from jax import lax
from jax.experimental import pallas as pl
from jax.experimental.pallas import tpu as pltpu
from jax.experimental.pallas import tpu_sc as plsc

BATCH = 4
CTX = 8192
EMB = 1024
BLK = 512

NC, NS = 2, 16
NW = NC * NS
SC_BATCH = 3
RPW = CTX // NW
CHUNK = 16
CELTS = CHUNK * EMB
NCHUNK = RPW // CHUNK


def _sc_body(x_hbm, pos_hbm, o_hbm,
             xv0, xv1, pv0, pv1,
             sx0, sx1, sp0, sp1, so0, so1):
    wid = lax.axis_index("s") * NC + lax.axis_index("c")
    obase = wid * (RPW * EMB)
    base = SC_BATCH * (CTX * EMB) + obase
    pbase = obase

    xv = (xv0, xv1)
    pv = (pv0, pv1)
    sx = (sx0, sx1)
    sp = (sp0, sp1)
    so = (so0, so1)

    def start_in(k, b):
        pltpu.async_copy(x_hbm.at[pl.ds(base + k * CELTS, CELTS)], xv[b], sx[b])
        pltpu.async_copy(pos_hbm.at[pl.ds(pbase + k * CELTS, CELTS)], pv[b], sp[b])

    start_in(0, 0)

    @pl.loop(0, NCHUNK, step=2)
    def _(k):
        for b in range(2):
            kk = k + b
            pltpu.make_async_copy(x_hbm.at[pl.ds(0, CELTS)], xv[b], sx[b]).wait()
            pltpu.make_async_copy(pos_hbm.at[pl.ds(0, CELTS)], pv[b], sp[b]).wait()

            @pl.when(kk >= 1)
            def _():
                pltpu.make_async_copy(
                    xv[1 - b], o_hbm.at[pl.ds(0, CELTS)], so[1 - b]).wait()

            @pl.when(kk + 1 < NCHUNK)
            def _():
                start_in(kk + 1, 1 - b)

            @pl.loop(0, CELTS // 16, unroll=8)
            def _(j):
                sl = pl.ds(j * 16, 16)
                xv[b][sl] = xv[b][sl] + pv[b][sl]

            pltpu.async_copy(xv[b], o_hbm.at[pl.ds(obase + kk * CELTS, CELTS)],
                             so[b])

    pltpu.make_async_copy(
        xv[(NCHUNK - 1) % 2], o_hbm.at[pl.ds(0, CELTS)],
        so[(NCHUNK - 1) % 2]).wait()


def _sc_add(x_flat, pos_flat):
    mesh = plsc.VectorSubcoreMesh(core_axis_name="c", subcore_axis_name="s")
    return pl.kernel(
        _sc_body,
        out_type=jax.ShapeDtypeStruct((CTX * EMB,), jnp.float32),
        mesh=mesh,
        scratch_types=[
            pltpu.VMEM((CELTS,), jnp.float32),
            pltpu.VMEM((CELTS,), jnp.float32),
            pltpu.VMEM((CELTS,), jnp.float32),
            pltpu.VMEM((CELTS,), jnp.float32),
            pltpu.SemaphoreType.DMA,
            pltpu.SemaphoreType.DMA,
            pltpu.SemaphoreType.DMA,
            pltpu.SemaphoreType.DMA,
            pltpu.SemaphoreType.DMA,
            pltpu.SemaphoreType.DMA,
        ],
    )(x_flat, pos_flat)


def _tc_kernel(x_ref, pos_ref, o_ref):
    o_ref[...] = x_ref[...] + pos_ref[...][None, :, :]


def _tc_add(x, pos_table):
    return pl.pallas_call(
        _tc_kernel,
        grid=(CTX // BLK, BATCH - 1),
        in_specs=[
            pl.BlockSpec((1, BLK, EMB), lambda i, b: (b, i, 0)),
            pl.BlockSpec((BLK, EMB), lambda i, b: (i, 0)),
        ],
        out_specs=pl.BlockSpec((1, BLK, EMB), lambda i, b: (b, i, 0)),
        out_shape=jax.ShapeDtypeStruct((BATCH - 1, CTX, EMB), x.dtype),
    )(x, pos_table)


@jax.jit
def _hybrid(x, pos_table):
    sc_out = _sc_add(x.reshape(-1), pos_table.reshape(-1))
    tc_out = _tc_add(x, pos_table)
    return jnp.concatenate([tc_out, sc_out.reshape(1, CTX, EMB)], axis=0)


def kernel(x, pos_table):
    return _hybrid(x, pos_table)

# --- scband reference (transcript-rebuilt; emitter-appended) ---
"""Pipeline reference for scband-positional-embeddings-10213432230187 (READ-ONLY COPY).

The authoritative reference and input builder live on the scoring server;
editing this copy changes nothing except your own understanding.
"""

import jax, jax.numpy as jnp
import numpy as np

CONTEXT_SZ = 8192
EMB_DIM = 1024
BATCH = 4

def setup_inputs(seed: int = 0) -> dict:
    key = jax.random.key(seed)
    k1, k2 = jax.random.split(key)
    x = jax.random.normal(k1, (BATCH, CONTEXT_SZ, EMB_DIM), dtype=jnp.float32)
    # learned positional embedding table, init like torch.nn.Embedding (N(0,1))
    pos_table = jax.random.normal(k2, (CONTEXT_SZ, EMB_DIM), dtype=jnp.float32)
    return {"x": x, "pos_table": pos_table}

def reference(x, pos_table):
    # indices = arange(context_sz); pos_embeds = table[indices]
    indices = jnp.arange(CONTEXT_SZ)
    pos_embeds = jnp.take(pos_table, indices, axis=0)  # [context_sz, emb_dim]
    return x + pos_embeds[None, :, :]  # broadcast over batch

if __name__ == "__main__":
    import jax
    _d = setup_inputs()
    print(jax.jit(kernel)(*tuple(_d.values())))

</pallas_src>

<mosaic_0001>
#map = affine_map<(d0, d1) -> (0)>
module attributes {stable_mosaic.version = 14 : i64} {
  func.func @_sc_body(%arg0: i32, %arg1: i32, %arg2: memref<33554432xf32, #tpu.memory_space<hbm>>, %arg3: memref<8388608xf32, #tpu.memory_space<hbm>>, %arg4: memref<8388608xf32, #tpu.memory_space<hbm>>, %arg5: memref<16384xf32, #tpu.memory_space<vmem>>, %arg6: memref<16384xf32, #tpu.memory_space<vmem>>, %arg7: memref<16384xf32, #tpu.memory_space<vmem>>, %arg8: memref<16384xf32, #tpu.memory_space<vmem>>, %arg9: memref<!tpu.dma_semaphore, #tpu.memory_space<semaphore_mem>>, %arg10: memref<!tpu.dma_semaphore, #tpu.memory_space<semaphore_mem>>, %arg11: memref<!tpu.dma_semaphore, #tpu.memory_space<semaphore_mem>>, %arg12: memref<!tpu.dma_semaphore, #tpu.memory_space<semaphore_mem>>, %arg13: memref<!tpu.dma_semaphore, #tpu.memory_space<semaphore_mem>>, %arg14: memref<!tpu.dma_semaphore, #tpu.memory_space<semaphore_mem>>) attributes {dimension_semantics = [#tpu.dimension_semantics<core_parallel>, #tpu.dimension_semantics<subcore_parallel>], iteration_bounds = array<i64: 2, 16>, scalar_prefetch = 0 : i64, scratch_operands = 10 : i64, tpu.core_type = #tpu.core_type<sc_vector_subcore>, window_params = [{transform_indices = #map}, {transform_indices = #map}, {transform_indices = #map}]} {
    %mul3A = arith.constant 2 : i32
    %mul3A_0 = arith.muli %arg1, %mul3A : i32
    %add3A = arith.addi %mul3A_0, %arg0 : i32
    %mul3A_1 = arith.constant 262144 : i32
    %mul3A_2 = arith.muli %add3A, %mul3A_1 : i32
    %add3A_3 = arith.constant 25165824 : i32
    %add3A_4 = arith.addi %add3A_3, %mul3A_2 : i32
    %add3A_5 = arith.constant 0 : i32
    %add3A_6 = arith.addi %add3A_4, %add3A_5 : i32
    %dma_start3A = tpu.memref_slice %arg2[%add3A_6] : memref<33554432xf32, #tpu.memory_space<hbm>> -> memref<16384xf32, #tpu.memory_space<hbm>>
    %dma_start3A_7 = tpu.memref_slice %arg2[%add3A_6] : memref<33554432xf32, #tpu.memory_space<hbm>> -> memref<16384xf32, #tpu.memory_space<hbm>>
    tpu.enqueue_dma source(%dma_start3A_7 : memref<16384xf32, #tpu.memory_space<hbm>>) target(%arg5 : memref<16384xf32, #tpu.memory_space<vmem>>) target_semaphore(%arg9 : memref<!tpu.dma_semaphore, #tpu.memory_space<semaphore_mem>>)
    %add3A_8 = arith.constant 0 : i32
    %add3A_9 = arith.addi %mul3A_2, %add3A_8 : i32
    %dma_start3A_10 = tpu.memref_slice %arg3[%add3A_9] : memref<8388608xf32, #tpu.memory_space<hbm>> -> memref<16384xf32, #tpu.memory_space<hbm>>
    %dma_start3A_11 = tpu.memref_slice %arg3[%add3A_9] : memref<8388608xf32, #tpu.memory_space<hbm>> -> memref<16384xf32, #tpu.memory_space<hbm>>
    tpu.enqueue_dma source(%dma_start3A_11 : memref<16384xf32, #tpu.memory_space<hbm>>) target(%arg7 : memref<16384xf32, #tpu.memory_space<vmem>>) target_semaphore(%arg11 : memref<!tpu.dma_semaphore, #tpu.memory_space<semaphore_mem>>)
    %scan3A = arith.constant 0 : i32
    %scan3A_12 = arith.constant 8 : i32
    %scan3A_13 = arith.addi %scan3A, %scan3A_12 : i32
    %scan3A_14 = arith.constant 1 : i32
    scf.for %scan3A_19 = %scan3A to %scan3A_13 step %scan3A_14  : i32 {
      %mul3A_20 = arith.constant 2 : i32
      %mul3A_21 = arith.muli %scan3A_19, %mul3A_20 : i32
      %add3A_22 = arith.constant 0 : i32
      %add3A_23 = arith.addi %add3A_22, %mul3A_21 : i32
      %add3A_24 = arith.constant 0 : i32
      %add3A_25 = arith.addi %add3A_23, %add3A_24 : i32
      %dma_wait3A_26 = arith.constant 0 : i32
      %dma_wait3A_27 = tpu.memref_slice %arg2[%dma_wait3A_26] : memref<33554432xf32, #tpu.memory_space<hbm>> -> memref<16384xf32, #tpu.memory_space<hbm>>
      %dma_wait3A_28 = arith.constant 0 : i32
      %dma_wait3A_29 = tpu.memref_slice %arg2[%dma_wait3A_28] : memref<33554432xf32, #tpu.memory_space<hbm>> -> memref<16384xf32, #tpu.memory_space<hbm>>
      tpu.wait_dma2 semaphore(%arg9 : memref<!tpu.dma_semaphore, #tpu.memory_space<semaphore_mem>>) src(%dma_wait3A_29 : memref<16384xf32, #tpu.memory_space<hbm>>) dst(%arg5 : memref<16384xf32, #tpu.memory_space<vmem>>)
      %dma_wait3A_30 = arith.constant 0 : i32
      %dma_wait3A_31 = tpu.memref_slice %arg3[%dma_wait3A_30] : memref<8388608xf32, #tpu.memory_space<hbm>> -> memref<16384xf32, #tpu.memory_space<hbm>>
      %dma_wait3A_32 = arith.constant 0 : i32
      %dma_wait3A_33 = tpu.memref_slice %arg3[%dma_wait3A_32] : memref<8388608xf32, #tpu.memory_space<hbm>> -> memref<16384xf32, #tpu.memory_space<hbm>>
      tpu.wait_dma2 semaphore(%arg11 : memref<!tpu.dma_semaphore, #tpu.memory_space<semaphore_mem>>) src(%dma_wait3A_33 : memref<16384xf32, #tpu.memory_space<hbm>>) dst(%arg7 : memref<16384xf32, #tpu.memory_space<vmem>>)
      %ge3A = arith.constant 1 : i32
      %ge3A_34 = arith.cmpi sge, %add3A_25, %ge3A : i32
      %convert_element_type3A = arith.extui %ge3A_34 : i1 to i32
      %cond3A = arith.constant 0 : i32
      %cond3A_35 = arith.cmpi ne, %convert_element_type3A, %cond3A : i32
      scf.if %cond3A_35 {
        %dma_wait3A_84 = arith.constant 0 : i32
        %dma_wait3A_85 = tpu.memref_slice %arg4[%dma_wait3A_84] : memref<8388608xf32, #tpu.memory_space<hbm>> -> memref<16384xf32, #tpu.memory_space<hbm>>
        %dma_wait3A_86 = arith.constant 0 : i32
        %dma_wait3A_87 = tpu.memref_slice %arg4[%dma_wait3A_86] : memref<8388608xf32, #tpu.memory_space<hbm>> -> memref<16384xf32, #tpu.memory_space<hbm>>
        tpu.wait_dma2 semaphore(%arg14 : memref<!tpu.dma_semaphore, #tpu.memory_space<semaphore_mem>>) src(%arg6 : memref<16384xf32, #tpu.memory_space<vmem>>) dst(%dma_wait3A_87 : memref<16384xf32, #tpu.memory_space<hbm>>)
      } else {
      }
      %add3A_36 = arith.constant 1 : i32
      %add3A_37 = arith.addi %add3A_25, %add3A_36 : i32
      %lt3A = arith.constant 16 : i32
      %lt3A_38 = arith.cmpi slt, %add3A_37, %lt3A : i32
      %convert_element_type3A_39 = arith.extui %lt3A_38 : i1 to i32
      %cond3A_40 = arith.constant 0 : i32
      %cond3A_41 = arith.cmpi ne, %convert_element_type3A_39, %cond3A_40 : i32
      scf.if %cond3A_41 {
        %add3A_84 = arith.constant 1 : i32
        %add3A_85 = arith.addi %add3A_25, %add3A_84 : i32
        %mul3A_86 = arith.constant 16384 : i32
        %mul3A_87 = arith.muli %add3A_85, %mul3A_86 : i32
        %add3A_88 = arith.addi %add3A_4, %mul3A_87 : i32
        %dma_start3A_89 = tpu.memref_slice %arg2[%add3A_88] : memref<33554432xf32, #tpu.memory_space<hbm>> -> memref<16384xf32, #tpu.memory_space<hbm>>
        %dma_start3A_90 = tpu.memref_slice %arg2[%add3A_88] : memref<33554432xf32, #tpu.memory_space<hbm>> -> memref<16384xf32, #tpu.memory_space<hbm>>
        tpu.enqueue_dma source(%dma_start3A_90 : memref<16384xf32, #tpu.memory_space<hbm>>) target(%arg6 : memref<16384xf32, #tpu.memory_space<vmem>>) target_semaphore(%arg10 : memref<!tpu.dma_semaphore, #tpu.memory_space<semaphore_mem>>)
        %mul3A_91 = arith.constant 16384 : i32
        %mul3A_92 = arith.muli %add3A_85, %mul3A_91 : i32
        %add3A_93 = arith.addi %mul3A_2, %mul3A_92 : i32
        %dma_start3A_94 = tpu.memref_slice %arg3[%add3A_93] : memref<8388608xf32, #tpu.memory_space<hbm>> -> memref<16384xf32, #tpu.memory_space<hbm>>
        %dma_start3A_95 = tpu.memref_slice %arg3[%add3A_93] : memref<8388608xf32, #tpu.memory_space<hbm>> -> memref<16384xf32, #tpu.memory_space<hbm>>
        tpu.enqueue_dma source(%dma_start3A_95 : memref<16384xf32, #tpu.memory_space<hbm>>) target(%arg8 : memref<16384xf32, #tpu.memory_space<vmem>>) target_semaphore(%arg12 : memref<!tpu.dma_semaphore, #tpu.memory_space<semaphore_mem>>)
      } else {
      }
      %scan3A_42 = arith.constant 0 : i32
      %scan3A_43 = arith.constant 1024 : i32
      %scan3A_44 = arith.addi %scan3A_42, %scan3A_43 : i32
      %scan3A_45 = arith.constant 8 : i32
      scf.for %scan3A_84 = %scan3A_42 to %scan3A_44 step %scan3A_45  : i32 {
        %mul3A_85 = arith.constant 1 : i32
        %mul3A_86 = arith.muli %scan3A_84, %mul3A_85 : i32
        %add3A_87 = arith.constant 0 : i32
        %add3A_88 = arith.addi %add3A_87, %mul3A_86 : i32
        %mul3A_89 = arith.constant 16 : i32
        %mul3A_90 = arith.muli %add3A_88, %mul3A_89 : i32
        %get3A = arith.index_cast %mul3A_90 : i32 to index
        %get3A_91 = tpu.vector_load %arg5[%get3A] {strides = array<i32>} : memref<16384xf32, #tpu.memory_space<vmem>>, vector<16xf32>,
        %get3A_92 = vector.shape_cast %get3A_91 : vector<16xf32> to vector<16xf32>
        %get3A_93 = arith.index_cast %mul3A_90 : i32 to index
        %get3A_94 = tpu.vector_load %arg7[%get3A_93] {strides = array<i32>} : memref<16384xf32, #tpu.memory_space<vmem>>, vector<16xf32>,
        %get3A_95 = vector.shape_cast %get3A_94 : vector<16xf32> to vector<16xf32>
        %add3A_96 = arith.addf %get3A_92, %get3A_95 : vector<16xf32>
        %swap3A = arith.index_cast %mul3A_90 : i32 to index
        %swap3A_97 = tpu.vector_load %arg5[%swap3A] {strides = array<i32>} : memref<16384xf32, #tpu.memory_space<vmem>>, vector<16xf32>,
        %swap3A_98 = vector.shape_cast %swap3A_97 : vector<16xf32> to vector<16xf32>
        %swap3A_99 = vector.shape_cast %add3A_96 : vector<16xf32> to vector<16xf32>
        tpu.vector_store %arg5[%swap3A], %swap3A_99 {strides = array<i32>} : memref<16384xf32, #tpu.memory_space<vmem>>, vector<16xf32>,
        %scan3A_100 = arith.constant 1 : i32
        %scan3A_101 = arith.addi %scan3A_84, %scan3A_100 : i32
        %mul3A_102 = arith.constant 1 : i32
        %mul3A_103 = arith.muli %scan3A_101, %mul3A_102 : i32
        %add3A_104 = arith.constant 0 : i32
        %add3A_105 = arith.addi %add3A_104, %mul3A_103 : i32
        %mul3A_106 = arith.constant 16 : i32
        %mul3A_107 = arith.muli %add3A_105, %mul3A_106 : i32
        %get3A_108 = arith.index_cast %mul3A_107 : i32 to index
        %get3A_109 = tpu.vector_load %arg5[%get3A_108] {strides = array<i32>} : memref<16384xf32, #tpu.memory_space<vmem>>, vector<16xf32>,
        %get3A_110 = vector.shape_cast %get3A_109 : vector<16xf32> to vector<16xf32>
        %get3A_111 = arith.index_cast %mul3A_107 : i32 to index
        %get3A_112 = tpu.vector_load %arg7[%get3A_111] {strides = array<i32>} : memref<16384xf32, #tpu.memory_space<vmem>>, vector<16xf32>,
        %get3A_113 = vector.shape_cast %get3A_112 : vector<16xf32> to vector<16xf32>
        %add3A_114 = arith.addf %get3A_110, %get3A_113 : vector<16xf32>
        %swap3A_115 = arith.index_cast %mul3A_107 : i32 to index
        %swap3A_116 = tpu.vector_load %arg5[%swap3A_115] {strides = array<i32>} : memref<16384xf32, #tpu.memory_space<vmem>>, vector<16xf32>,
        %swap3A_117 = vector.shape_cast %swap3A_116 : vector<16xf32> to vector<16xf32>
        %swap3A_118 = vector.shape_cast %add3A_114 : vector<16xf32> to vector<16xf32>
        tpu.vector_store %arg5[%swap3A_115], %swap3A_118 {strides = array<i32>} : memref<16384xf32, #tpu.memory_space<vmem>>, vector<16xf32>,
        %scan3A_119 = arith.constant 2 : i32
        %scan3A_120 = arith.addi %scan3A_84, %scan3A_119 : i32
        %mul3A_121 = arith.constant 1 : i32
        %mul3A_122 = arith.muli %scan3A_120, %mul3A_121 : i32
        %add3A_123 = arith.constant 0 : i32
        %add3A_124 = arith.addi %add3A_123, %mul3A_122 : i32
        %mul3A_125 = arith.constant 16 : i32
        %mul3A_126 = arith.muli %add3A_124, %mul3A_125 : i32
        %get3A_127 = arith.index_cast %mul3A_126 : i32 to index
        %get3A_128 = tpu.vector_load %arg5[%get3A_127] {strides = array<i32>} : memref<16384xf32, #tpu.memory_space<vmem>>, vector<16xf32>,
        %get3A_129 = vector.shape_cast %get3A_128 : vector<16xf32> to vector<16xf32>
        %get3A_130 = arith.index_cast %mul3A_126 : i32 to index
        %get3A_131 = tpu.vector_load %arg7[%get3A_130] {strides = array<i32>} : memref<16384xf32, #tpu.memory_space<vmem>>, vector<16xf32>,
        %get3A_132 = vector.shape_cast %get3A_131 : vector<16xf32> to vector<16xf32>
        %add3A_133 = arith.addf %get3A_129, %get3A_132 : vector<16xf32>
        %swap3A_134 = arith.index_cast %mul3A_126 : i32 to index
        %swap3A_135 = tpu.vector_load %arg5[%swap3A_134] {strides = array<i32>} : memref<16384xf32, #tpu.memory_space<vmem>>, vector<16xf32>,
        %swap3A_136 = vector.shape_cast %swap3A_135 : vector<16xf32> to vector<16xf32>
        %swap3A_137 = vector.shape_cast %add3A_133 : vector<16xf32> to vector<16xf32>
        tpu.vector_store %arg5[%swap3A_134], %swap3A_137 {strides = array<i32>} : memref<16384xf32, #tpu.memory_space<vmem>>, vector<16xf32>,
        %scan3A_138 = arith.constant 3 : i32
        %scan3A_139 = arith.addi %scan3A_84, %scan3A_138 : i32
        %mul3A_140 = arith.constant 1 : i32
        %mul3A_141 = arith.muli %scan3A_139, %mul3A_140 : i32
        %add3A_142 = arith.constant 0 : i32
        %add3A_143 = arith.addi %add3A_142, %mul3A_141 : i32
        %mul3A_144 = arith.constant 16 : i32
        %mul3A_145 = arith.muli %add3A_143, %mul3A_144 : i32
        %get3A_146 = arith.index_cast %mul3A_145 : i32 to index
        %get3A_147 = tpu.vector_load %arg5[%get3A_146] {strides = array<i32>} : memref<16384xf32, #tpu.memory_space<vmem>>, vector<16xf32>,
        %get3A_148 = vector.shape_cast %get3A_147 : vector<16xf32> to vector<16xf32>
        %get3A_149 = arith.index_cast %mul3A_145 : i32 to index
        %get3A_150 = tpu.vector_load %arg7[%get3A_149] {strides = array<i32>} : memref<16384xf32, #tpu.memory_space<vmem>>, vector<16xf32>,
        %get3A_151 = vector.shape_cast %get3A_150 : vector<16xf32> to vector<16xf32>
        %add3A_152 = arith.addf %get3A_148, %get3A_151 : vector<16xf32>
        %swap3A_153 = arith.index_cast %mul3A_145 : i32 to index
        %swap3A_154 = tpu.vector_load %arg5[%swap3A_153] {strides = array<i32>} : memref<16384xf32, #tpu.memory_space<vmem>>, vector<16xf32>,
        %swap3A_155 = vector.shape_cast %swap3A_154 : vector<16xf32> to vector<16xf32>
        %swap3A_156 = vector.shape_cast %add3A_152 : vector<16xf32> to vector<16xf32>
        tpu.vector_store %arg5[%swap3A_153], %swap3A_156 {strides = array<i32>} : memref<16384xf32, #tpu.memory_space<vmem>>, vector<16xf32>,
        %scan3A_157 = arith.constant 4 : i32
        %scan3A_158 = arith.addi %scan3A_84, %scan3A_157 : i32
        %mul3A_159 = arith.constant 1 : i32
        %mul3A_160 = arith.muli %scan3A_158, %mul3A_159 : i32
        %add3A_161 = arith.constant 0 : i32
        %add3A_162 = arith.addi %add3A_161, %mul3A_160 : i32
        %mul3A_163 = arith.constant 16 : i32
        %mul3A_164 = arith.muli %add3A_162, %mul3A_163 : i32
        %get3A_165 = arith.index_cast %mul3A_164 : i32 to index
        %get3A_166 = tpu.vector_load %arg5[%get3A_165] {strides = array<i32>} : memref<16384xf32, #tpu.memory_space<vmem>>, vector<16xf32>,
        %get3A_167 = vector.shape_cast %get3A_166 : vector<16xf32> to vector<16xf32>
        %get3A_168 = arith.index_cast %mul3A_164 : i32 to index
        %get3A_169 = tpu.vector_load %arg7[%get3A_168] {strides = array<i32>} : memref<16384xf32, #tpu.memory_space<vmem>>, vector<16xf32>,
        %get3A_170 = vector.shape_cast %get3A_169 : vector<16xf32> to vector<16xf32>
        %add3A_171 = arith.addf %get3A_167, %get3A_170 : vector<16xf32>
        %swap3A_172 = arith.index_cast %mul3A_164 : i32 to index
        %swap3A_173 = tpu.vector_load %arg5[%swap3A_172] {strides = array<i32>} : memref<16384xf32, #tpu.memory_space<vmem>>, vector<16xf32>,
        %swap3A_174 = vector.shape_cast %swap3A_173 : vector<16xf32> to vector<16xf32>
        %swap3A_175 = vector.shape_cast %add3A_171 : vector<16xf32> to vector<16xf32>
        tpu.vector_store %arg5[%swap3A_172], %swap3A_175 {strides = array<i32>} : memref<16384xf32, #tpu.memory_space<vmem>>, vector<16xf32>,
        %scan3A_176 = arith.constant 5 : i32
        %scan3A_177 = arith.addi %scan3A_84, %scan3A_176 : i32
        %mul3A_178 = arith.constant 1 : i32
        %mul3A_179 = arith.muli %scan3A_177, %mul3A_178 : i32
        %add3A_180 = arith.constant 0 : i32
        %add3A_181 = arith.addi %add3A_180, %mul3A_179 : i32
        %mul3A_182 = arith.constant 16 : i32
        %mul3A_183 = arith.muli %add3A_181, %mul3A_182 : i32
        %get3A_184 = arith.index_cast %mul3A_183 : i32 to index
        %get3A_185 = tpu.vector_load %arg5[%get3A_184] {strides = array<i32>} : memref<16384xf32, #tpu.memory_space<vmem>>, vector<16xf32>,
        %get3A_186 = vector.shape_cast %get3A_185 : vector<16xf32> to vector<16xf32>
        %get3A_187 = arith.index_cast %mul3A_183 : i32 to index
        %get3A_188 = tpu.vector_load %arg7[%get3A_187] {strides = array<i32>} : memref<16384xf32, #tpu.memory_space<vmem>>, vector<16xf32>,
        %get3A_189 = vector.shape_cast %get3A_188 : vector<16xf32> to vector<16xf32>
        %add3A_190 = arith.addf %get3A_186, %get3A_189 : vector<16xf32>
        %swap3A_191 = arith.index_cast %mul3A_183 : i32 to index
        %swap3A_192 = tpu.vector_load %arg5[%swap3A_191] {strides = array<i32>} : memref<16384xf32, #tpu.memory_space<vmem>>, vector<16xf32>,
        %swap3A_193 = vector.shape_cast %swap3A_192 : vector<16xf32> to vector<16xf32>
        %swap3A_194 = vector.shape_cast %add3A_190 : vector<16xf32> to vector<16xf32>
        tpu.vector_store %arg5[%swap3A_191], %swap3A_194 {strides = array<i32>} : memref<16384xf32, #tpu.memory_space<vmem>>, vector<16xf32>,
        %scan3A_195 = arith.constant 6 : i32
        %scan3A_196 = arith.addi %scan3A_84, %scan3A_195 : i32
        %mul3A_197 = arith.constant 1 : i32
        %mul3A_198 = arith.muli %scan3A_196, %mul3A_197 : i32
        %add3A_199 = arith.constant 0 : i32
        %add3A_200 = arith.addi %add3A_199, %mul3A_198 : i32
        %mul3A_201 = arith.constant 16 : i32
        %mul3A_202 = arith.muli %add3A_200, %mul3A_201 : i32
        %get3A_203 = arith.index_cast %mul3A_202 : i32 to index
        %get3A_204 = tpu.vector_load %arg5[%get3A_203] {strides = array<i32>} : memref<16384xf32, #tpu.memory_space<vmem>>, vector<16xf32>,
        %get3A_205 = vector.shape_cast %get3A_204 : vector<16xf32> to vector<16xf32>
        %get3A_206 = arith.index_cast %mul3A_202 : i32 to index
        %get3A_207 = tpu.vector_load %arg7[%get3A_206] {strides = array<i32>} : memref<16384xf32, #tpu.memory_space<vmem>>, vector<16xf32>,
        %get3A_208 = vector.shape_cast %get3A_207 : vector<16xf32> to vector<16xf32>
        %add3A_209 = arith.addf %get3A_205, %get3A_208 : vector<16xf32>
        %swap3A_210 = arith.index_cast %mul3A_202 : i32 to index
        %swap3A_211 = tpu.vector_load %arg5[%swap3A_210] {strides = array<i32>} : memref<16384xf32, #tpu.memory_space<vmem>>, vector<16xf32>,
        %swap3A_212 = vector.shape_cast %swap3A_211 : vector<16xf32> to vector<16xf32>
        %swap3A_213 = vector.shape_cast %add3A_209 : vector<16xf32> to vector<16xf32>
        tpu.vector_store %arg5[%swap3A_210], %swap3A_213 {strides = array<i32>} : memref<16384xf32, #tpu.memory_space<vmem>>, vector<16xf32>,
        %scan3A_214 = arith.constant 7 : i32
        %scan3A_215 = arith.addi %scan3A_84, %scan3A_214 : i32
        %mul3A_216 = arith.constant 1 : i32
        %mul3A_217 = arith.muli %scan3A_215, %mul3A_216 : i32
        %add3A_218 = arith.constant 0 : i32
        %add3A_219 = arith.addi %add3A_218, %mul3A_217 : i32
        %mul3A_220 = arith.constant 16 : i32
        %mul3A_221 = arith.muli %add3A_219, %mul3A_220 : i32
        %get3A_222 = arith.index_cast %mul3A_221 : i32 to index
        %get3A_223 = tpu.vector_load %arg5[%get3A_222] {strides = array<i32>} : memref<16384xf32, #tpu.memory_space<vmem>>, vector<16xf32>,
        %get3A_224 = vector.shape_cast %get3A_223 : vector<16xf32> to vector<16xf32>
        %get3A_225 = arith.index_cast %mul3A_221 : i32 to index
        %get3A_226 = tpu.vector_load %arg7[%get3A_225] {strides = array<i32>} : memref<16384xf32, #tpu.memory_space<vmem>>, vector<16xf32>,
        %get3A_227 = vector.shape_cast %get3A_226 : vector<16xf32> to vector<16xf32>
        %add3A_228 = arith.addf %get3A_224, %get3A_227 : vector<16xf32>
        %swap3A_229 = arith.index_cast %mul3A_221 : i32 to index
        %swap3A_230 = tpu.vector_load %arg5[%swap3A_229] {strides = array<i32>} : memref<16384xf32, #tpu.memory_space<vmem>>, vector<16xf32>,
        %swap3A_231 = vector.shape_cast %swap3A_230 : vector<16xf32> to vector<16xf32>
        %swap3A_232 = vector.shape_cast %add3A_228 : vector<16xf32> to vector<16xf32>
        tpu.vector_store %arg5[%swap3A_229], %swap3A_232 {strides = array<i32>} : memref<16384xf32, #tpu.memory_space<vmem>>, vector<16xf32>,
      }
      %scan3A_46 = arith.constant 1024 : i32
      %mul3A_47 = arith.constant 16384 : i32
      %mul3A_48 = arith.muli %add3A_25, %mul3A_47 : i32
      %add3A_49 = arith.addi %mul3A_2, %mul3A_48 : i32
      %dma_start3A_50 = tpu.memref_slice %arg4[%add3A_49] : memref<8388608xf32, #tpu.memory_space<hbm>> -> memref<16384xf32, #tpu.memory_space<hbm>>
      %dma_start3A_51 = tpu.memref_slice %arg4[%add3A_49] : memref<8388608xf32, #tpu.memory_space<hbm>> -> memref<16384xf32, #tpu.memory_space<hbm>>
      tpu.enqueue_dma source(%arg5 : memref<16384xf32, #tpu.memory_space<vmem>>) target(%dma_start3A_51 : memref<16384xf32, #tpu.memory_space<hbm>>) target_semaphore(%arg13 : memref<!tpu.dma_semaphore, #tpu.memory_space<semaphore_mem>>)
      %add3A_52 = arith.constant 1 : i32
      %add3A_53 = arith.addi %add3A_23, %add3A_52 : i32
      %dma_wait3A_54 = arith.constant 0 : i32
      %dma_wait3A_55 = tpu.memref_slice %arg2[%dma_wait3A_54] : memref<33554432xf32, #tpu.memory_space<hbm>> -> memref<16384xf32, #tpu.memory_space<hbm>>
      %dma_wait3A_56 = arith.constant 0 : i32
      %dma_wait3A_57 = tpu.memref_slice %arg2[%dma_wait3A_56] : memref<33554432xf32, #tpu.memory_space<hbm>> -> memref<16384xf32, #tpu.memory_space<hbm>>
      tpu.wait_dma2 semaphore(%arg10 : memref<!tpu.dma_semaphore, #tpu.memory_space<semaphore_mem>>) src(%dma_wait3A_57 : memref<16384xf32, #tpu.memory_space<hbm>>) dst(%arg6 : memref<16384xf32, #tpu.memory_space<vmem>>)
      %dma_wait3A_58 = arith.constant 0 : i32
      %dma_wait3A_59 = tpu.memref_slice %arg3[%dma_wait3A_58] : memref<8388608xf32, #tpu.memory_space<hbm>> -> memref<16384xf32, #tpu.memory_space<hbm>>
      %dma_wait3A_60 = arith.constant 0 : i32
      %dma_wait3A_61 = tpu.memref_slice %arg3[%dma_wait3A_60] : memref<8388608xf32, #tpu.memory_space<hbm>> -> memref<16384xf32, #tpu.memory_space<hbm>>
      tpu.wait_dma2 semaphore(%arg12 : memref<!tpu.dma_semaphore, #tpu.memory_space<semaphore_mem>>) src(%dma_wait3A_61 : memref<16384xf32, #tpu.memory_space<hbm>>) dst(%arg8 : memref<16384xf32, #tpu.memory_space<vmem>>)
      %ge3A_62 = arith.constant 1 : i32
      %ge3A_63 = arith.cmpi sge, %add3A_53, %ge3A_62 : i32
      %convert_element_type3A_64 = arith.extui %ge3A_63 : i1 to i32
      %cond3A_65 = arith.constant 0 : i32
      %cond3A_66 = arith.cmpi ne, %convert_element_type3A_64, %cond3A_65 : i32
      scf.if %cond3A_66 {
        %dma_wait3A_84 = arith.constant 0 : i32
        %dma_wait3A_85 = tpu.memref_slice %arg4[%dma_wait3A_84] : memref<8388608xf32, #tpu.memory_space<hbm>> -> memref<16384xf32, #tpu.memory_space<hbm>>
        %dma_wait3A_86 = arith.constant 0 : i32
        %dma_wait3A_87 = tpu.memref_slice %arg4[%dma_wait3A_86] : memref<8388608xf32, #tpu.memory_space<hbm>> -> memref<16384xf32, #tpu.memory_space<hbm>>
        tpu.wait_dma2 semaphore(%arg13 : memref<!tpu.dma_semaphore, #tpu.memory_space<semaphore_mem>>) src(%arg5 : memref<16384xf32, #tpu.memory_space<vmem>>) dst(%dma_wait3A_87 : memref<16384xf32, #tpu.memory_space<hbm>>)
      } else {
      }
      %add3A_67 = arith.constant 1 : i32
      %add3A_68 = arith.addi %add3A_53, %add3A_67 : i32
      %lt3A_69 = arith.constant 16 : i32
      %lt3A_70 = arith.cmpi slt, %add3A_68, %lt3A_69 : i32
      %convert_element_type3A_71 = arith.extui %lt3A_70 : i1 to i32
      %cond3A_72 = arith.constant 0 : i32
      %cond3A_73 = arith.cmpi ne, %convert_element_type3A_71, %cond3A_72 : i32
      scf.if %cond3A_73 {
        %add3A_84 = arith.constant 1 : i32
        %add3A_85 = arith.addi %add3A_53, %add3A_84 : i32
        %mul3A_86 = arith.constant 16384 : i32
        %mul3A_87 = arith.muli %add3A_85, %mul3A_86 : i32
        %add3A_88 = arith.addi %add3A_4, %mul3A_87 : i32
        %dma_start3A_89 = tpu.memref_slice %arg2[%add3A_88] : memref<33554432xf32, #tpu.memory_space<hbm>> -> memref<16384xf32, #tpu.memory_space<hbm>>
        %dma_start3A_90 = tpu.memref_slice %arg2[%add3A_88] : memref<33554432xf32, #tpu.memory_space<hbm>> -> memref<16384xf32, #tpu.memory_space<hbm>>
        tpu.enqueue_dma source(%dma_start3A_90 : memref<16384xf32, #tpu.memory_space<hbm>>) target(%arg5 : memref<16384xf32, #tpu.memory_space<vmem>>) target_semaphore(%arg9 : memref<!tpu.dma_semaphore, #tpu.memory_space<semaphore_mem>>)
        %mul3A_91 = arith.constant 16384 : i32
        %mul3A_92 = arith.muli %add3A_85, %mul3A_91 : i32
        %add3A_93 = arith.addi %mul3A_2, %mul3A_92 : i32
        %dma_start3A_94 = tpu.memref_slice %arg3[%add3A_93] : memref<8388608xf32, #tpu.memory_space<hbm>> -> memref<16384xf32, #tpu.memory_space<hbm>>
        %dma_start3A_95 = tpu.memref_slice %arg3[%add3A_93] : memref<8388608xf32, #tpu.memory_space<hbm>> -> memref<16384xf32, #tpu.memory_space<hbm>>
        tpu.enqueue_dma source(%dma_start3A_95 : memref<16384xf32, #tpu.memory_space<hbm>>) target(%arg7 : memref<16384xf32, #tpu.memory_space<vmem>>) target_semaphore(%arg11 : memref<!tpu.dma_semaphore, #tpu.memory_space<semaphore_mem>>)
      } else {
      }
      %scan3A_74 = arith.constant 0 : i32
      %scan3A_75 = arith.constant 1024 : i32
      %scan3A_76 = arith.addi %scan3A_74, %scan3A_75 : i32
      %scan3A_77 = arith.constant 8 : i32
      scf.for %scan3A_84 = %scan3A_74 to %scan3A_76 step %scan3A_77  : i32 {
        %mul3A_85 = arith.constant 1 : i32
        %mul3A_86 = arith.muli %scan3A_84, %mul3A_85 : i32
        %add3A_87 = arith.constant 0 : i32
        %add3A_88 = arith.addi %add3A_87, %mul3A_86 : i32
        %mul3A_89 = arith.constant 16 : i32
        %mul3A_90 = arith.muli %add3A_88, %mul3A_89 : i32
        %get3A = arith.index_cast %mul3A_90 : i32 to index
        %get3A_91 = tpu.vector_load %arg6[%get3A] {strides = array<i32>} : memref<16384xf32, #tpu.memory_space<vmem>>, vector<16xf32>,
        %get3A_92 = vector.shape_cast %get3A_91 : vector<16xf32> to vector<16xf32>
        %get3A_93 = arith.index_cast %mul3A_90 : i32 to index
        %get3A_94 = tpu.vector_load %arg8[%get3A_93] {strides = array<i32>} : memref<16384xf32, #tpu.memory_space<vmem>>, vector<16xf32>,
        %get3A_95 = vector.shape_cast %get3A_94 : vector<16xf32> to vector<16xf32>
        %add3A_96 = arith.addf %get3A_92, %get3A_95 : vector<16xf32>
        %swap3A = arith.index_cast %mul3A_90 : i32 to index
        %swap3A_97 = tpu.vector_load %arg6[%swap3A] {strides = array<i32>} : memref<16384xf32, #tpu.memory_space<vmem>>, vector<16xf32>,
        %swap3A_98 = vector.shape_cast %swap3A_97 : vector<16xf32> to vector<16xf32>
        %swap3A_99 = vector.shape_cast %add3A_96 : vector<16xf32> to vector<16xf32>
        tpu.vector_store %arg6[%swap3A], %swap3A_99 {strides = array<i32>} : memref<16384xf32, #tpu.memory_space<vmem>>, vector<16xf32>,
        %scan3A_100 = arith.constant 1 : i32
        %scan3A_101 = arith.addi %scan3A_84, %scan3A_100 : i32
        %mul3A_102 = arith.constant 1 : i32
        %mul3A_103 = arith.muli %scan3A_101, %mul3A_102 : i32
        %add3A_104 = arith.constant 0 : i32
        %add3A_105 = arith.addi %add3A_104, %mul3A_103 : i32
        %mul3A_106 = arith.constant 16 : i32
        %mul3A_107 = arith.muli %add3A_105, %mul3A_106 : i32
        %get3A_108 = arith.index_cast %mul3A_107 : i32 to index
        %get3A_109 = tpu.vector_load %arg6[%get3A_108] {strides = array<i32>} : memref<16384xf32, #tpu.memory_space<vmem>>, vector<16xf32>,
        %get3A_110 = vector.shape_cast %get3A_109 : vector<16xf32> to vector<16xf32>
        %get3A_111 = arith.index_cast %mul3A_107 : i32 to index
        %get3A_112 = tpu.vector_load %arg8[%get3A_111] {strides = array<i32>} : memref<16384xf32, #tpu.memory_space<vmem>>, vector<16xf32>,
        %get3A_113 = vector.shape_cast %get3A_112 : vector<16xf32> to vector<16xf32>
        %add3A_114 = arith.addf %get3A_110, %get3A_113 : vector<16xf32>
        %swap3A_115 = arith.index_cast %mul3A_107 : i32 to index
        %swap3A_116 = tpu.vector_load %arg6[%swap3A_115] {strides = array<i32>} : memref<16384xf32, #tpu.memory_space<vmem>>, vector<16xf32>,
        %swap3A_117 = vector.shape_cast %swap3A_116 : vector<16xf32> to vector<16xf32>
        %swap3A_118 = vector.shape_cast %add3A_114 : vector<16xf32> to vector<16xf32>
        tpu.vector_store %arg6[%swap3A_115], %swap3A_118 {strides = array<i32>} : memref<16384xf32, #tpu.memory_space<vmem>>, vector<16xf32>,
        %scan3A_119 = arith.constant 2 : i32
        %scan3A_120 = arith.addi %scan3A_84, %scan3A_119 : i32
        %mul3A_121 = arith.constant 1 : i32
        %mul3A_122 = arith.muli %scan3A_120, %mul3A_121 : i32
        %add3A_123 = arith.constant 0 : i32
        %add3A_124 = arith.addi %add3A_123, %mul3A_122 : i32
        %mul3A_125 = arith.constant 16 : i32
        %mul3A_126 = arith.muli %add3A_124, %mul3A_125 : i32
        %get3A_127 = arith.index_cast %mul3A_126 : i32 to index
        %get3A_128 = tpu.vector_load %arg6[%get3A_127] {strides = array<i32>} : memref<16384xf32, #tpu.memory_space<vmem>>, vector<16xf32>,
        %get3A_129 = vector.shape_cast %get3A_128 : vector<16xf32> to vector<16xf32>
        %get3A_130 = arith.index_cast %mul3A_126 : i32 to index
        %get3A_131 = tpu.vector_load %arg8[%get3A_130] {strides = array<i32>} : memref<16384xf32, #tpu.memory_space<vmem>>, vector<16xf32>,
        %get3A_132 = vector.shape_cast %get3A_131 : vector<16xf32> to vector<16xf32>
        %add3A_133 = arith.addf %get3A_129, %get3A_132 : vector<16xf32>
        %swap3A_134 = arith.index_cast %mul3A_126 : i32 to index
        %swap3A_135 = tpu.vector_load %arg6[%swap3A_134] {strides = array<i32>} : memref<16384xf32, #tpu.memory_space<vmem>>, vector<16xf32>,
        %swap3A_136 = vector.shape_cast %swap3A_135 : vector<16xf32> to vector<16xf32>
        %swap3A_137 = vector.shape_cast %add3A_133 : vector<16xf32> to vector<16xf32>
        tpu.vector_store %arg6[%swap3A_134], %swap3A_137 {strides = array<i32>} : memref<16384xf32, #tpu.memory_space<vmem>>, vector<16xf32>,
        %scan3A_138 = arith.constant 3 : i32
        %scan3A_139 = arith.addi %scan3A_84, %scan3A_138 : i32
        %mul3A_140 = arith.constant 1 : i32
        %mul3A_141 = arith.muli %scan3A_139, %mul3A_140 : i32
        %add3A_142 = arith.constant 0 : i32
        %add3A_143 = arith.addi %add3A_142, %mul3A_141 : i32
        %mul3A_144 = arith.constant 16 : i32
        %mul3A_145 = arith.muli %add3A_143, %mul3A_144 : i32
        %get3A_146 = arith.index_cast %mul3A_145 : i32 to index
        %get3A_147 = tpu.vector_load %arg6[%get3A_146] {strides = array<i32>} : memref<16384xf32, #tpu.memory_space<vmem>>, vector<16xf32>,
        %get3A_148 = vector.shape_cast %get3A_147 : vector<16xf32> to vector<16xf32>
        %get3A_149 = arith.index_cast %mul3A_145 : i32 to index
        %get3A_150 = tpu.vector_load %arg8[%get3A_149] {strides = array<i32>} : memref<16384xf32, #tpu.memory_space<vmem>>, vector<16xf32>,
        %get3A_151 = vector.shape_cast %get3A_150 : vector<16xf32> to vector<16xf32>
        %add3A_152 = arith.addf %get3A_148, %get3A_151 : vector<16xf32>
        %swap3A_153 = arith.index_cast %mul3A_145 : i32 to index
        %swap3A_154 = tpu.vector_load %arg6[%swap3A_153] {strides = array<i32>} : memref<16384xf32, #tpu.memory_space<vmem>>, vector<16xf32>,
        %swap3A_155 = vector.shape_cast %swap3A_154 : vector<16xf32> to vector<16xf32>
        %swap3A_156 = vector.shape_cast %add3A_152 : vector<16xf32> to vector<16xf32>
        tpu.vector_store %arg6[%swap3A_153], %swap3A_156 {strides = array<i32>} : memref<16384xf32, #tpu.memory_space<vmem>>, vector<16xf32>,
        %scan3A_157 = arith.constant 4 : i32
        %scan3A_158 = arith.addi %scan3A_84, %scan3A_157 : i32
        %mul3A_159 = arith.constant 1 : i32
        %mul3A_160 = arith.muli %scan3A_158, %mul3A_159 : i32
        %add3A_161 = arith.constant 0 : i32
        %add3A_162 = arith.addi %add3A_161, %mul3A_160 : i32
        %mul3A_163 = arith.constant 16 : i32
        %mul3A_164 = arith.muli %add3A_162, %mul3A_163 : i32
        %get3A_165 = arith.index_cast %mul3A_164 : i32 to index
        %get3A_166 = tpu.vector_load %arg6[%get3A_165] {strides = array<i32>} : memref<16384xf32, #tpu.memory_space<vmem>>, vector<16xf32>,
        %get3A_167 = vector.shape_cast %get3A_166 : vector<16xf32> to vector<16xf32>
        %get3A_168 = arith.index_cast %mul3A_164 : i32 to index
        %get3A_169 = tpu.vector_load %arg8[%get3A_168] {strides = array<i32>} : memref<16384xf32, #tpu.memory_space<vmem>>, vector<16xf32>,
        %get3A_170 = vector.shape_cast %get3A_169 : vector<16xf32> to vector<16xf32>
        %add3A_171 = arith.addf %get3A_167, %get3A_170 : vector<16xf32>
        %swap3A_172 = arith.index_cast %mul3A_164 : i32 to index
        %swap3A_173 = tpu.vector_load %arg6[%swap3A_172] {strides = array<i32>} : memref<16384xf32, #tpu.memory_space<vmem>>, vector<16xf32>,
        %swap3A_174 = vector.shape_cast %swap3A_173 : vector<16xf32> to vector<16xf32>
        %swap3A_175 = vector.shape_cast %add3A_171 : vector<16xf32> to vector<16xf32>
        tpu.vector_store %arg6[%swap3A_172], %swap3A_175 {strides = array<i32>} : memref<16384xf32, #tpu.memory_space<vmem>>, vector<16xf32>,
        %scan3A_176 = arith.constant 5 : i32
        %scan3A_177 = arith.addi %scan3A_84, %scan3A_176 : i32
        %mul3A_178 = arith.constant 1 : i32
        %mul3A_179 = arith.muli %scan3A_177, %mul3A_178 : i32
        %add3A_180 = arith.constant 0 : i32
        %add3A_181 = arith.addi %add3A_180, %mul3A_179 : i32
        %mul3A_182 = arith.constant 16 : i32
        %mul3A_183 = arith.muli %add3A_181, %mul3A_182 : i32
        %get3A_184 = arith.index_cast %mul3A_183 : i32 to index
        %get3A_185 = tpu.vector_load %arg6[%get3A_184] {strides = array<i32>} : memref<16384xf32, #tpu.memory_space<vmem>>, vector<16xf32>,
        %get3A_186 = vector.shape_cast %get3A_185 : vector<16xf32> to vector<16xf32>
        %get3A_187 = arith.index_cast %mul3A_183 : i32 to index
        %get3A_188 = tpu.vector_load %arg8[%get3A_187] {strides = array<i32>} : memref<16384xf32, #tpu.memory_space<vmem>>, vector<16xf32>,
        %get3A_189 = vector.shape_cast %get3A_188 : vector<16xf32> to vector<16xf32>
        %add3A_190 = arith.addf %get3A_186, %get3A_189 : vector<16xf32>
        %swap3A_191 = arith.index_cast %mul3A_183 : i32 to index
        %swap3A_192 = tpu.vector_load %arg6[%swap3A_191] {strides = array<i32>} : memref<16384xf32, #tpu.memory_space<vmem>>, vector<16xf32>,
        %swap3A_193 = vector.shape_cast %swap3A_192 : vector<16xf32> to vector<16xf32>
        %swap3A_194 = vector.shape_cast %add3A_190 : vector<16xf32> to vector<16xf32>
        tpu.vector_store %arg6[%swap3A_191], %swap3A_194 {strides = array<i32>} : memref<16384xf32, #tpu.memory_space<vmem>>, vector<16xf32>,
        %scan3A_195 = arith.constant 6 : i32
        %scan3A_196 = arith.addi %scan3A_84, %scan3A_195 : i32
        %mul3A_197 = arith.constant 1 : i32
        %mul3A_198 = arith.muli %scan3A_196, %mul3A_197 : i32
        %add3A_199 = arith.constant 0 : i32
        %add3A_200 = arith.addi %add3A_199, %mul3A_198 : i32
        %mul3A_201 = arith.constant 16 : i32
        %mul3A_202 = arith.muli %add3A_200, %mul3A_201 : i32
        %get3A_203 = arith.index_cast %mul3A_202 : i32 to index
        %get3A_204 = tpu.vector_load %arg6[%get3A_203] {strides = array<i32>} : memref<16384xf32, #tpu.memory_space<vmem>>, vector<16xf32>,
        %get3A_205 = vector.shape_cast %get3A_204 : vector<16xf32> to vector<16xf32>
        %get3A_206 = arith.index_cast %mul3A_202 : i32 to index
        %get3A_207 = tpu.vector_load %arg8[%get3A_206] {strides = array<i32>} : memref<16384xf32, #tpu.memory_space<vmem>>, vector<16xf32>,
        %get3A_208 = vector.shape_cast %get3A_207 : vector<16xf32> to vector<16xf32>
        %add3A_209 = arith.addf %get3A_205, %get3A_208 : vector<16xf32>
        %swap3A_210 = arith.index_cast %mul3A_202 : i32 to index
        %swap3A_211 = tpu.vector_load %arg6[%swap3A_210] {strides = array<i32>} : memref<16384xf32, #tpu.memory_space<vmem>>, vector<16xf32>,
        %swap3A_212 = vector.shape_cast %swap3A_211 : vector<16xf32> to vector<16xf32>
        %swap3A_213 = vector.shape_cast %add3A_209 : vector<16xf32> to vector<16xf32>
        tpu.vector_store %arg6[%swap3A_210], %swap3A_213 {strides = array<i32>} : memref<16384xf32, #tpu.memory_space<vmem>>, vector<16xf32>,
        %scan3A_214 = arith.constant 7 : i32
        %scan3A_215 = arith.addi %scan3A_84, %scan3A_214 : i32
        %mul3A_216 = arith.constant 1 : i32
        %mul3A_217 = arith.muli %scan3A_215, %mul3A_216 : i32
        %add3A_218 = arith.constant 0 : i32
        %add3A_219 = arith.addi %add3A_218, %mul3A_217 : i32
        %mul3A_220 = arith.constant 16 : i32
        %mul3A_221 = arith.muli %add3A_219, %mul3A_220 : i32
        %get3A_222 = arith.index_cast %mul3A_221 : i32 to index
        %get3A_223 = tpu.vector_load %arg6[%get3A_222] {strides = array<i32>} : memref<16384xf32, #tpu.memory_space<vmem>>, vector<16xf32>,
        %get3A_224 = vector.shape_cast %get3A_223 : vector<16xf32> to vector<16xf32>
        %get3A_225 = arith.index_cast %mul3A_221 : i32 to index
        %get3A_226 = tpu.vector_load %arg8[%get3A_225] {strides = array<i32>} : memref<16384xf32, #tpu.memory_space<vmem>>, vector<16xf32>,
        %get3A_227 = vector.shape_cast %get3A_226 : vector<16xf32> to vector<16xf32>
        %add3A_228 = arith.addf %get3A_224, %get3A_227 : vector<16xf32>
        %swap3A_229 = arith.index_cast %mul3A_221 : i32 to index
        %swap3A_230 = tpu.vector_load %arg6[%swap3A_229] {strides = array<i32>} : memref<16384xf32, #tpu.memory_space<vmem>>, vector<16xf32>,
        %swap3A_231 = vector.shape_cast %swap3A_230 : vector<16xf32> to vector<16xf32>
        %swap3A_232 = vector.shape_cast %add3A_228 : vector<16xf32> to vector<16xf32>
        tpu.vector_store %arg6[%swap3A_229], %swap3A_232 {strides = array<i32>} : memref<16384xf32, #tpu.memory_space<vmem>>, vector<16xf32>,
      }
      %scan3A_78 = arith.constant 1024 : i32
      %mul3A_79 = arith.constant 16384 : i32
      %mul3A_80 = arith.muli %add3A_53, %mul3A_79 : i32
      %add3A_81 = arith.addi %mul3A_2, %mul3A_80 : i32
      %dma_start3A_82 = tpu.memref_slice %arg4[%add3A_81] : memref<8388608xf32, #tpu.memory_space<hbm>> -> memref<16384xf32, #tpu.memory_space<hbm>>
      %dma_start3A_83 = tpu.memref_slice %arg4[%add3A_81] : memref<8388608xf32, #tpu.memory_space<hbm>> -> memref<16384xf32, #tpu.memory_space<hbm>>
      tpu.enqueue_dma source(%arg6 : memref<16384xf32, #tpu.memory_space<vmem>>) target(%dma_start3A_83 : memref<16384xf32, #tpu.memory_space<hbm>>) target_semaphore(%arg14 : memref<!tpu.dma_semaphore, #tpu.memory_space<semaphore_mem>>)
    }
    %scan3A_15 = arith.constant 8 : i32
    %dma_wait3A = arith.constant 0 : i32
    %dma_wait3A_16 = tpu.memref_slice %arg4[%dma_wait3A] : memref<8388608xf32, #tpu.memory_space<hbm>> -> memref<16384xf32, #tpu.memory_space<hbm>>
    %dma_wait3A_17 = arith.constant 0 : i32
    %dma_wait3A_18 = tpu.memref_slice %arg4[%dma_wait3A_17] : memref<8388608xf32, #tpu.memory_space<hbm>> -> memref<16384xf32, #tpu.memory_space<hbm>>
    tpu.wait_dma2 semaphore(%arg14 : memref<!tpu.dma_semaphore, #tpu.memory_space<semaphore_mem>>) src(%arg6 : memref<16384xf32, #tpu.memory_space<vmem>>) dst(%dma_wait3A_18 : memref<16384xf32, #tpu.memory_space<hbm>>)
    return
  }
}

module attributes {stable_mosaic.version = 14 : i64} {
  func.func @_tc_kernel(%arg0: i32, %arg1: i32, %arg2: memref<1x512x1024xf32, #tpu.memory_space<vmem>>, %arg3: memref<512x1024xf32, #tpu.memory_space<vmem>>, %arg4: memref<1x512x1024xf32, #tpu.memory_space<vmem>>) attributes {dimension_semantics = [#tpu.dimension_semantics<arbitrary>, #tpu.dimension_semantics<arbitrary>], iteration_bounds = array<i64: 16, 3>, scalar_prefetch = 0 : i64, scratch_operands = 0 : i64, tpu.core_type = #tpu.core_type<tc>, window_params = [{transform_indices = @transform_0, window_bounds = array<i64: 1, 512, 1024>}, {transform_indices = @transform_1, window_bounds = array<i64: 512, 1024>}, {transform_indices = @transform_2, window_bounds = array<i64: 1, 512, 1024>}]} {
    %get3A = arith.constant 0 : index
    %get3A_0 = arith.constant 0 : index
    %get3A_1 = arith.constant 0 : index
    %get3A_2 = vector.load %arg2[%get3A, %get3A_0, %get3A_1] : memref<1x512x1024xf32, #tpu.memory_space<vmem>>, vector<1x512x1024xf32>
    %get3A_3 = arith.constant 0 : index
    %get3A_4 = arith.constant 0 : index
    %get3A_5 = vector.load %arg3[%get3A_3, %get3A_4] : memref<512x1024xf32, #tpu.memory_space<vmem>>, vector<512x1024xf32>
    %broadcast_in_dim3A = vector.shape_cast %get3A_5 : vector<512x1024xf32> to vector<1x512x1024xf32>
    %add3A = arith.addf %get3A_2, %broadcast_in_dim3A : vector<1x512x1024xf32>
    %swap3A = arith.constant 0 : index
    %swap3A_6 = arith.constant 0 : index
    %swap3A_7 = arith.constant 0 : index
    %swap3A_8 = vector.load %arg4[%swap3A, %swap3A_6, %swap3A_7] : memref<1x512x1024xf32, #tpu.memory_space<vmem>>, vector<1x512x1024xf32>
    tpu.vector_store %arg4[%swap3A, %swap3A_6, %swap3A_7], %add3A {strides = array<i32>} : memref<1x512x1024xf32, #tpu.memory_space<vmem>>, vector<1x512x1024xf32>,
    return
  }
  func.func @transform_0(%arg0: i32, %arg1: i32) -> (i32, i32, i32) {
    %c0_i32 = arith.constant 0 : i32
    %c0_i32_0 = arith.constant 0 : i32
    return %arg1, %arg0, %c0_i32 : i32, i32, i32
  }
  func.func @transform_1(%arg0: i32, %arg1: i32) -> (i32, i32) {
    %c0_i32 = arith.constant 0 : i32
    %c0_i32_0 = arith.constant 0 : i32
    return %arg0, %c0_i32 : i32, i32
  }
  func.func @transform_2(%arg0: i32, %arg1: i32) -> (i32, i32, i32) {
    %c0_i32 = arith.constant 0 : i32
    %c0_i32_0 = arith.constant 0 : i32
    return %arg1, %arg0, %c0_i32 : i32, i32, i32
  }
}

</mosaic_0001>

<sc_bundles>
// kernel: _hybrid.4.cloned.1.call-start
scs
__scs_entry_jumppad:
0x0: {  	(pc) =	sbr.rel $0x88, $3  }
0x1: {  	(tag) =	ssettag $0x0;
	lr =	simm.s32 $0x1  }
0x2: {  	[smem:$0x3F9F] =	sst lr;
	_ =	strace $0xD0000000  }
0x3: {  	_ = 	snop  }
0x4: {  	_ = 	snop  }
0x5: {  	_ = 	snop  }
0x6: {  	_ = 	snop  }
0x7: {  	_ = 	snop  }
__scs_overlays_trampoline_lowered:
0x8: {  	[smem:$0x3FAE] =	sst s0  }
0x9: {  	[smem:$0x3FAF] =	sst s1  }
0xa: {  	[smem:$0x3FB0] =	sst s2  }
0xb: {  	[smem:$0x3FB1] =	sst s3  }
0xc: {  	[smem:$0x3FB2] =	sst s4  }
0xd: {  	[smem:$0x3FB3] =	sst s5  }
0xe: {  	[smem:$0x3FB4] =	sst s6  }
0xf: {  	[smem:$0x3FB5] =	sst s7  }
0x10: {  	[smem:$0x3FB6] =	sst s8  }
0x11: {  	[smem:$0x3FB7] =	sst s9;
	s0 =	simm.s32 @!p0 $0x0  }
0x12: {  	s1 =	sld [smem:$0x3F9D];
	s0 =	simm.s32 @p0 $0x1  }
0x13: {  	[smem:$0x3FB8] =	sst s0;
	s0 =	simm.s32 @!p1 $0x0  }
0x14: {  	s2 =	sld [smem:$0x3F9C];
	s0 =	simm.s32 @p1 $0x1  }
0x15: {  	[smem:$0x3FB9] =	sst s0;
	s0 =	simm.s32 @!p2 $0x0  }
0x16: {  	s3 =	sld [smem:$0x3FDB];
	s0 =	simm.s32 @p2 $0x1  }
0x17: {  	s4 =	simm.s32 $0x1BF5;
	[smem:$0x3FBB] =	sst s0  }
0x18: {  	s0 =	sld [smem:$0x3F9E];
	_ =	swait.ge [sflag:s4], $0x0  }
0x19: {  	s7 =	sld [smem:$0x3F9F]  }
0x1a: {  	s8 =	sadd.s32 $0xFFFFE003, lr  }
0x1b: {  	s9 =	sadd.s32 $0xFFFFFEF7, lr;
	s5 =	simm.s32 $0xFFFFFFFF;
	p2 =	slt.u32 s8, $0xFFFFF086  }
0x1c: {  	p1 =	slt.u32 s9, $0xF7A;
	s5 =	simm.s32 @!p2 $0x0  }
0x1d: {  	s5 =	simm.s32 @p1 $0x1;
	p0 =	seq.s32 s7, s2  }
0x1e: {  	s7 =	smul.u32 @!p0 $0xF7A, s2;
	p2 =	seq.s32 @!p0 s5, $0x0  }
0x1f: {  	s9 =	smul.u32 $0xF7A, s1;
	s8 =	simm.s32 @!p0 $0x1BF5;
	p2 =	por !p2, p0  }
0x20: {  	[sflag:s8] =	ssyncset.s32 @!p0 $0xFFFFF086;
	s6 =	sadd.s32 @!p0 s3, s7;
	s7 =	simm.s32 @!p0 $0x108  }
0x21: {  	s3 =	sadd.s32 s3, s9;
	s6 =	sadd.s32 @!p0 $0x88, s6;
	s7 =	simm.s32 @p2 $0x1082  }
0x22: {  	[simem:s7], [sflag:s8] =	dma.local @!p0 [hbm:s6], $0xF7A  }
0x23: {  	s9 =	sor.u32 $0xD0000000, s2;
	s6 =	simm.s32 $0x108;
	_ =	swait.ge @!p0 [sflag:s8], $0x0  }
0x24: {  	s3 =	sadd.s32 $0x88, s3;
	s6 =	simm.s32 @!p1 $0x1082;
	[sflag:s4] =	ssyncset.s32 $0xFFFFF086  }
0x25: {  	[simem:s6], [sflag:s4] =	dma.local [hbm:s3], $0xF7A  }
0x26: {  	[smem:$0x3F9F] =	sst s1;
	(tag) =	ssettag s2;
	_ =	strace s9  }
0x27: {  	s1 =	sld [smem:$0x3FAF]  }
0x28: {  	s2 =	sld [smem:$0x3FB0]  }
0x29: {  	s4 =	sld [smem:$0x3FB2]  }
0x2a: {  	p0 =	seq.s32 s5, $0x0;
	s5 =	sld [smem:$0x3FB3]  }
0x2b: {  	s6 =	sld [smem:$0x3FB4]  }
0x2c: {  	s7 =	sld [smem:$0x3FB5]  }
0x2d: {  	s3 =	simm.s32 $0x108;
	s8 =	sld [smem:$0x3FB6]  }
0x2e: {  	s3 =	simm.s32 @!p0 $0x1082;
	s9 =	sld [smem:$0x3FB7]  }
0x2f: {  	lr =	sadd.s32 s0, s3;
	s0 =	sld [smem:$0x3FAE]  }
0x30: {  	s3 =	sld [smem:$0x3FB1]  }
0x31: {  	[smem:$0x3FBA] =	sst s10  }
0x32: {  	s10 =	sld [smem:$0x3FB8];
	_ =	sdelay $0x3  }
0x33: {  	p0 =	seq.s32 s10, $0x1;
	s10 =	sld [smem:$0x3FBA];
	_ =	sdelay $0x3  }
0x34: {  	[smem:$0x3FBA] =	sst s10  }
0x35: {  	s10 =	sld [smem:$0x3FB9];
	_ =	sdelay $0x3  }
0x36: {  	p1 =	seq.s32 s10, $0x1;
	s10 =	sld [smem:$0x3FBA];
	_ =	sdelay $0x3  }
0x37: {  	[smem:$0x3FBA] =	sst s10  }
0x38: {  	s10 =	sld [smem:$0x3FBB]  }
0x39: {  	_ = 	snop;
	(pc) =	sbr.ind lr, $3  }
0x3a: {  	_ = 	snop  }
0x3b: {  	_ = 	snop  }
0x3c: {  	p2 =	seq.s32 s10, $0x1;
	s10 =	sld [smem:$0x3FBA]  }
0x3d: {  	_ =	shalt  }
0x3e: {  	_ =	shalt  }
0x3f: {  	_ =	shalt  }
0x40: {  	_ =	shalt  }
0x41: {  	_ =	shalt  }
0x42: {  	_ =	shalt  }
0x43: {  	_ =	shalt  }
0x44: {  	_ =	shalt  }
0x45: {  	_ =	shalt  }
0x46: {  	_ =	shalt  }
0x47: {  	_ =	shalt  }
0x48: {  	_ =	shalt  }
0x49: {  	_ =	shalt  }
0x4a: {  	_ =	shalt  }
0x4b: {  	_ =	shalt  }
0x4c: {  	_ =	shalt  }
0x4d: {  	_ =	shalt  }
0x4e: {  	_ =	shalt  }
0x4f: {  	_ =	shalt  }
0x50: {  	_ =	shalt  }
0x51: {  	_ =	shalt  }
0x52: {  	_ =	shalt  }
0x53: {  	_ =	shalt  }
0x54: {  	_ =	shalt  }
0x55: {  	_ =	shalt  }
0x56: {  	_ =	shalt  }
0x57: {  	_ =	shalt  }
0x58: {  	_ =	shalt  }
0x59: {  	_ =	shalt  }
0x5a: {  	_ =	shalt  }
0x5b: {  	_ =	shalt  }
0x5c: {  	_ =	shalt  }
0x5d: {  	_ =	shalt  }
0x5e: {  	_ =	shalt  }
0x5f: {  	_ =	shalt  }
0x60: {  	_ =	shalt  }
0x61: {  	_ =	shalt  }
0x62: {  	_ =	shalt  }
0x63: {  	_ =	shalt  }
0x64: {  	_ =	shalt  }
0x65: {  	_ =	shalt  }
0x66: {  	_ =	shalt  }
0x67: {  	_ =	shalt  }
0x68: {  	_ =	shalt  }
0x69: {  	_ =	shalt  }
0x6a: {  	_ =	shalt  }
0x6b: {  	_ =	shalt  }
0x6c: {  	_ =	shalt  }
0x6d: {  	_ =	shalt  }
0x6e: {  	_ =	shalt  }
0x6f: {  	_ =	shalt  }
0x70: {  	_ =	shalt  }
0x71: {  	_ =	shalt  }
0x72: {  	_ =	shalt  }
0x73: {  	_ =	shalt  }
0x74: {  	_ =	shalt  }
0x75: {  	_ =	shalt  }
0x76: {  	_ =	shalt  }
0x77: {  	_ =	shalt  }
0x78: {  	_ =	shalt  }
0x79: {  	_ =	shalt  }
0x7a: {  	_ =	shalt  }
0x7b: {  	_ =	shalt  }
0x7c: {  	_ =	shalt  }
0x7d: {  	_ =	shalt  }
0x7e: {  	_ =	shalt  }
0x7f: {  	_ =	shalt  }
0x80: {  	_ =	shalt  }
0x81: {  	_ =	shalt  }
0x82: {  	_ =	shalt  }
0x83: {  	_ =	shalt  }
0x84: {  	_ =	shalt  }
0x85: {  	_ =	shalt  }
0x86: {  	_ =	shalt  }
0x87: {  	_ =	shalt  }
.Lfunc_end0:
.L_simem_size_0:
called_computation.2_lowered:
.L_overlay_start_0:
0x88: {  	s2 =	sld [smem:$0x3FD9]  }
0x89: {  	s3 =	sld [smem:$0x3FFE];
	_ =	sdelay $0x1  }
0x8a: {  	s1 =	srdreg.scid  }
0x8b: {  	s0 =	sand.u32 $0x1, s1  }
0x8c: {  	s17 =	sshll.u32 s0, $0xA;
	s2 =	sadd.s32 s3, s2  }
0x8d: {  	s2 =	sadd.s32 s2, s17  }
0x8e: {  	[smem:$0x3FC6] =	sst s2  }
0x8f: {  	_ = 	snop  }
0x90: {  	s2 =	sld [smem:$0x3FD0];
	(tm) =	ssettm $0x1  }
0x91: {  	s18 =	sld [smem:$0x3FFB];
	_ =	sdelay $0x3  }
0x92: {  	_ =	strace s18  }
0x93: {  	s3 =	sld [smem:$0x3FFC];
	_ =	sdelay $0x3  }
0x94: {  	_ =	strace s3  }
0x95: {  	s3 =	sld [smem:$0x3FFD];
	_ =	sdelay $0x3  }
0x96: {  	_ =	strace s3  }
0x97: {  	_ =	strace $0x8FFFFFFF  }
0x98: {  	s19 =	sld [smem:$0x3FDB];
	_ =	sdelay $0x1  }
0x99: {  	s4 =	simm.s32 $_scs_section_size  }
0x9a: {  	s5 =	simm.s32 $_size__tile_overlayer_lowered;
	s6 =	simm.s32 $_tile_overlayer_lowered  }
0x9b: {  	s22 =	simm.s32 $0x1BFF;
	s21 =	sshll.u32 s6, $0x1;
	s3 =	sadd.s32 s4, s19  }
0x9c: {  	s7 =	simm.s32 $0x0;
	s20 =	sshll.u32 s5, $0x1;
	s5 =	sadd.s32 s21, s3  }
0x9d: {  	[timem:s7], [sflag:s22] =	dma.local [hbm:s5], s20  }
0x9e: {  	_ =	swait.ge [sflag:s22], s20  }
0x9f: {  	s4 =	ssub.s32 $0x0, s20;
	[sflag:s22] =	ssyncset.done $0x0  }
0xa0: {  	[sflag:s22] =	ssyncadd.s32 s4;
	_ =	sdelay $0x1  }
0xa1: {  	s23 =	simm.s32 $0x1B8B  }
0xa2: {  	_ =	swait.ge [sflag:s23], $0x1  }
0xa3: {  	[sflag:s23] =	ssyncset.done $0x0  }
0xa4: {  	s25 =	simm.s32 $0x1B8E;
	s24 =	sld [smem:$0x3FFE];
	[sflag:s23] =	ssyncadd.s32 $0xFFFFFFFF  }
0xa5: {  	s26 =	simm.s32 $execute0_lowered;
	[smem:$0x3FD2] =	sst s25  }
0xa6: {  	s5 =	sshll.u32 s26, $0x1;
	_ =	strace $0x8000004C;
	[dreg:$0x1] =	wrdreg $0xFFFFFFFF  }
0xa7: {  	s28 =	simm.s32 $_size_execute0_lowered;
	s3 =	sadd.s32 s3, s5;
	[dreg:$0x0] =	wrdreg $0x0  }
0xa8: {  	s5 =	sshll.u32 s28, $0x1;
	[dreg:$0x2] =	wrdreg s3  }
0xa9: {  	[dreg:$0x3] =	wrdreg s5  }
0xaa: {  	[dreg:$0x4] =	wrdreg $0xC0  }
0xab: {  	_ =	task [dreg:s7], $0x5FFFF  }
0xac: {  	[dreg:$0x1] =	wrdreg $0xFFFFFFFF  }
0xad: {  	[dreg:$0x0] =	wrdreg $0x60  }
0xae: {  	[dreg:$0x2] =	wrdreg s2  }
0xaf: {  	[dreg:$0x3] =	wrdreg s24  }
0xb0: {  	[dreg:$0x4] =	wrdreg $0x9  }
0xb1: {  	_ =	task.clear_ibuf [dreg:s7], $0x5FFFF;
	_ =	strace $0x9000004C  }
0xb2: {  	s29 =	simm.s32 $0x9;
	_ =	strace $0x8000004E  }
0xb3: {  	_ =	swait.ge [sflag:s29], $0x1  }
0xb4: {  	[sflag:s29] =	ssyncadd.s32 $0xFFFFFFFF  }
0xb5: {  	_ =	strace $0x9000004E  }
0xb6: {  	_ =	sfence  }
0xb7: {  	s30 =	sld [smem:$0x0];
	_ =	sdelay $0x2  }
0xb8: {  	s31 =	sshll.u32 s1, $0xD;
	s1 =	sshrl.u32 s1, $0x2  }
0xb9: {  	s3 =	sand.u32 $0x4000, s31;
	s1 =	sadd.s32 s1, s30  }
0xba: {  	s0 =	sor.u32 s3, s0;
	s1 =	sshll.u32 s1, $0x11  }
0xbb: {  	s0 =	sor.u32 s1, s0  }
0xbc: {  	s0 =	sadd.s32 $0x8F2B, s0  }
0xbd: {  	[sflag:s0] =	ssyncadd.remote.s32 $0x1  }
0xbe: {  	_ =	sfence.sel $0xFFFF  }
0xbf: {  	[dreg:$0x0] =	wrdreg $0xFFFFFFFF;
	(pc) =	sbr.abs _section_cstart, $3  }
0xc0: {  	[dreg:$0x1] =	wrdreg $0xFFFFFFFF  }
0xc1: {  	_ =	task.clear_ibuf [dreg:s7], $0x2FFFF;
	_ =	strace $0x9FFFFFFF  }
0xc2: {  	(tm) =	ssettm $0x7FFFFFFF  }
0xc3: {  	_ =	shalt  }
tec
execute0_lowered:
.L_overlay_start_1:
0x0: {  	(tag) =	ssettag $0x1  }
0x1: {  	s1 =	rddreg [dreg:$0x0]  }
0x2: {  	s7 =	rddreg [dreg:$0x1]  }
0x3: {  	s0 =	rddreg [dreg:$0x2]  }
0x4: {  	s4 =	srdreg.scid;
	s3 =	simm.s32 $0x0;
	s2 =	stileid.u32  }
0x5: {  	s12 =	simm.s32 $0x1;
	s13 =	simm.s32 $0x3;
	s14 =	simm.s32 $0x4000  }
0x6: {  	s15 =	simm.s32 $0xC000;
	s16 =	simm.s32 $0x2;
	s17 =	simm.s32 $0x4  }
0x7: {  	s18 =	simm.s32 $0x5;
	s19 =	simm.s32 $0x6;
	s20 =	simm.s32 $0x0  }
0x8: {  	s6 =	sand.u32 $0x1, s4;
	[smem:$0x7FF] =	sst s3;
	s30 =	sshll.u32 s2, $0x13  }
0x9: {  	s5 =	sshll.u32 s6, $0x12;
	_ =	strace $0x8000004D;
	s8 =	ssub.s32 $0x2, s6  }
0xa: {  	s4 =	sor.u32 s5, s30;
	s5 =	sadd.s32 $0xC00, s7;
	s7 =	sadd.s32 $0x100C00, s7  }
0xb: {  	s9 =	sshrl.u32 s8, $0x1;
	s6 =	sor.u32 $0x1800000, s4;
	s31 =	sshrl.u32 s4, $0x3  }
0xc: {  	s11 =	ssub.s32 s8, s9;
	s10 =	sshrl.u32 s6, $0x3;
	s9 =	sadd.s32 s5, s31  }
0xd: {  	s8 =	sadd.s32 s1, s10;
	s10 =	smax.u32 s11, $0x1;
	s11 =	simm.s32 $0x8000  }
.LBB2_1:
0xe: {  	[tilespmem:s3], [sflag:$0x1] =	stream.linear.gather [hbm4b:s8+s3], $0x4000, $0x38;
	[tilespmem:$0x10000] =	vst v63  }
0xf: {  	s21 =	simm.s32 $0x0  }
0x10: {  	[tilespmem:s11], [sflag:$0x3] =	stream.linear.gather [hbm4b:s9+s3], $0x4000, $0x38;
	[tilespmem:$0x10000] =	vst v63  }
.LBB2_2:
0x11: {  	_ =	swait.ge [sflag:s12], $0x4000  }
0x12: {  	[sflag:s12] =	ssyncset.done $0x0  }
0x13: {  	[sflag:s12] =	ssyncadd.s32 $0xFFFFC000  }
0x14: {  	_ =	swait.ge [sflag:s13], $0x4000  }
0x15: {  	s23 =	sshll.u32 s21, $0xF;
	p0 =	seq.s32 s21, $0x0;
	[sflag:s13] =	ssyncset.done $0x0  }
0x16: {  	s22 =	simm.s32 @!p0 $0x6;
	s24 =	sor.u32 $0x4000, s23;
	[sflag:s13] =	ssyncadd.s32 $0xFFFFC000  }
0x17: {  	s25 =	sor.u32 s6, s24;
	_ =	swait.ge @!p0 [sflag:s22], $0x4000  }
0x18: {  	s30 =	sor.u32 s4, s24;
	s25 =	sshrl.u32 s25, $0x3;
	[sflag:s22] =	ssyncset.done @!p0 $0x0  }
0x19: {  	s29 =	sadd.s32 s1, s25;
	[sflag:s22] =	ssyncadd.s32 @!p0 $0xFFFFC000;
	s22 =	sshrl.u32 s30, $0x3  }
0x1a: {  	[tilespmem:s14], [sflag:$0x2] =	stream.linear.gather [hbm4b:s29+s3], $0x4000, $0x38;
	[tilespmem:$0x10000] =	vst v63  }
0x1b: {  	s24 =	simm.s32 $0x40;
	s31 =	sadd.s32 s5, s22  }
0x1c: {  	[tilespmem:s15], [sflag:$0x4] =	stream.linear.gather [hbm4b:s31+s3], $0x4000, $0x38;
	[tilespmem:$0x10000] =	vst v63  }
0x1d: {  	s25 =	simm.s32 $0x8040;
	v0 =	vld [tilespmem:s24+$0xFFFFFFC0]  }
0x1e: {  	v1 =	vld [tilespmem:s25+$0xFFFFFFC0];
	_ =	sdelay $0x4  }
0x1f: {  	v0 =	vadd.f32 v1, v0;
	_ =	sdelay $0x1  }
0x20: {  	[tilespmem:s24+$0xFFFFFFC0] =	vst v0;
	v0 =	vld [tilespmem:s24+$0xFFFFFFD0]  }
0x21: {  	v1 =	vld [tilespmem:s25+$0xFFFFFFD0];
	_ =	sdelay $0x4  }
0x22: {  	v0 =	vadd.f32 v1, v0;
	_ =	sdelay $0x1  }
0x23: {  	[tilespmem:s24+$0xFFFFFFD0] =	vst v0;
	v0 =	vld [tilespmem:s24+$0xFFFFFFE0]  }
0x24: {  	v1 =	vld [tilespmem:s25+$0xFFFFFFE0];
	_ =	sdelay $0x4  }
0x25: {  	v0 =	vadd.f32 v1, v0;
	_ =	sdelay $0x1  }
0x26: {  	[tilespmem:s24+$0xFFFFFFE0] =	vst v0;
	v0 =	vld [tilespmem:s24+$0xFFFFFFF0]  }
0x27: {  	v1 =	vld [tilespmem:s25+$0xFFFFFFF0];
	_ =	sdelay $0x4  }
0x28: {  	v0 =	vadd.f32 v1, v0;
	_ =	sdelay $0x1  }
0x29: {  	[tilespmem:s24+$0xFFFFFFF0] =	vst v0;
	v0 =	vld [tilespmem:s24+$0x0]  }
0x2a: {  	v1 =	vld [tilespmem:s25+$0x0];
	_ =	sdelay $0x4  }
0x2b: {  	v0 =	vadd.f32 v1, v0;
	_ =	sdelay $0x1  }
0x2c: {  	[tilespmem:s24+$0x0] =	vst v0;
	v0 =	vld [tilespmem:s24+$0x10]  }
0x2d: {  	v1 =	vld [tilespmem:s25+$0x10];
	_ =	sdelay $0x4  }
0x2e: {  	v0 =	vadd.f32 v1, v0;
	_ =	sdelay $0x1  }
0x2f: {  	[tilespmem:s24+$0x10] =	vst v0;
	v0 =	vld [tilespmem:s24+$0x20]  }
0x30: {  	v1 =	vld [tilespmem:s25+$0x20];
	_ =	sdelay $0x4  }
0x31: {  	v0 =	vadd.f32 v1, v0;
	_ =	sdelay $0x1  }
0x32: {  	[tilespmem:s24+$0x20] =	vst v0;
	v0 =	vld [tilespmem:s24+$0x30]  }
0x33: {  	v1 =	vld [tilespmem:s25+$0x30];
	_ =	sdelay $0x4  }
0x34: {  	v0 =	vadd.f32 v1, v0  }
0x35: {  	s26 =	simm.s32 $0x0;
	s28 =	simm.s32 $0xC0  }
.LBB2_3:
0x36: {  	v1 =	vld [tilespmem:s28+$0xFFFFFFC0];
	[tilespmem:s24+$0x30] =	vst v0;
	s25 =	sadd.s32 $0x80, s25;
	s24 =	smov.u32 s28  }
0x37: {  	s26 =	sadd.s32 $0x8, s26;
	v0 =	vld [tilespmem:s25+$0xFFFFFFC0]  }
0x38: {  	p0 =	slt.u32 s26, $0x3F8;
	_ =	sdelay $0x3  }
0x39: {  	v0 =	vadd.f32 v0, v1;
	_ =	sdelay $0x1  }
0x3a: {  	[tilespmem:s28+$0xFFFFFFC0] =	vst v0;
	v0 =	vld [tilespmem:s28+$0xFFFFFFD0]  }
0x3b: {  	v1 =	vld [tilespmem:s25+$0xFFFFFFD0];
	_ =	sdelay $0x4  }
0x3c: {  	v0 =	vadd.f32 v1, v0;
	_ =	sdelay $0x1  }
0x3d: {  	[tilespmem:s28+$0xFFFFFFD0] =	vst v0;
	v0 =	vld [tilespmem:s28+$0xFFFFFFE0]  }
0x3e: {  	v1 =	vld [tilespmem:s25+$0xFFFFFFE0];
	_ =	sdelay $0x4  }
0x3f: {  	v0 =	vadd.f32 v1, v0;
	_ =	sdelay $0x1  }
0x40: {  	[tilespmem:s28+$0xFFFFFFE0] =	vst v0;
	v0 =	vld [tilespmem:s28+$0xFFFFFFF0]  }
0x41: {  	v1 =	vld [tilespmem:s25+$0xFFFFFFF0];
	_ =	sdelay $0x4  }
0x42: {  	v0 =	vadd.f32 v1, v0;
	_ =	sdelay $0x1  }
0x43: {  	[tilespmem:s28+$0xFFFFFFF0] =	vst v0;
	v0 =	vld [tilespmem:s28+$0x0]  }
0x44: {  	v1 =	vld [tilespmem:s25+$0x0];
	_ =	sdelay $0x4  }
0x45: {  	v0 =	vadd.f32 v1, v0;
	_ =	sdelay $0x1  }
0x46: {  	[tilespmem:s28+$0x0] =	vst v0;
	v0 =	vld [tilespmem:s28+$0x10]  }
0x47: {  	v1 =	vld [tilespmem:s25+$0x10];
	_ =	sdelay $0x4  }
0x48: {  	v0 =	vadd.f32 v1, v0;
	_ =	sdelay $0x1  }
0x49: {  	[tilespmem:s28+$0x10] =	vst v0;
	v0 =	vld [tilespmem:s28+$0x20]  }
0x4a: {  	v1 =	vld [tilespmem:s25+$0x20];
	_ =	sdelay $0x4  }
0x4b: {  	v0 =	vadd.f32 v1, v0;
	_ =	sdelay $0x1  }
0x4c: {  	[tilespmem:s28+$0x20] =	vst v0;
	v0 =	vld [tilespmem:s28+$0x30]  }
0x4d: {  	v1 =	vld [tilespmem:s25+$0x30];
	_ =	sdelay $0x1  }
.Ltmp0:
0x4e: {  	(pc) =	sbr.rel @p0 .LBB2_3-.Ltmp0, $3  }
0x4f: {  	_ =	sdelay $0x1  }
0x50: {  	v0 =	vadd.f32 v1, v0  }
0x51: {  	s28 =	sadd.s32 $0x80, s28  }
0x52: {  	s25 =	sor.u32 s4, s23  }
0x53: {  	s25 =	sshrl.u32 s25, $0x3  }
0x54: {  	[tilespmem:s24+$0x30] =	vst v0;
	s31 =	sadd.s32 s7, s25  }
0x55: {  	[hbm4b:s31+s3] =	stream.linear.scatter [tilespmem:s3], [sflag:$0x5], $0x4000, $0x38;
	[tilespmem:$0x10000] =	vst v63  }
0x56: {  	_ =	swait.ge [sflag:s16], $0x4000  }
0x57: {  	[sflag:s16] =	ssyncset.done $0x0  }
0x58: {  	[sflag:s16] =	ssyncadd.s32 $0xFFFFC000  }
0x59: {  	_ =	swait.ge [sflag:s17], $0x4000  }
0x5a: {  	p0 =	seq.s32 s21, $0x7;
	[sflag:s17] =	ssyncset.done $0x0  }
0x5b: {  	s23 =	sadd.s32 @!p0 $0x8000, s23;
	[sflag:s17] =	ssyncadd.s32 $0xFFFFC000  }
0x5c: {  	s24 =	sadd.s32 @!p0 s6, s23;
	s25 =	simm.s32 @!p0 $0x0;
	_ =	swait.ge [sflag:s18], $0x4000  }
0x5d: {  	s23 =	sadd.s32 @!p0 s4, s23;
	s24 =	sshrl.u32 @!p0 s24, $0x3;
	[sflag:s18] =	ssyncset.done $0x0  }
0x5e: {  	s23 =	sshrl.u32 @!p0 s23, $0x3;
	s24 =	sadd.s32 @!p0 s1, s24;
	[sflag:s18] =	ssyncadd.s32 $0xFFFFC000  }
0x5f: {  	[tilespmem:s25], [sflag:$0x1] =	stream.linear.gather @!p0 [hbm4b:s24+s25], $0x4000, $0x38;
	[tilespmem:$0x10000] =	vst v63  }
0x60: {  	s23 =	sadd.s32 @!p0 s5, s23;
	s24 =	simm.s32 @!p0 $0x8000  }
0x61: {  	[tilespmem:s24], [sflag:$0x3] =	stream.linear.gather @!p0 [hbm4b:s23+s25], $0x4000, $0x38;
	[tilespmem:$0x10000] =	vst v63  }
0x62: {  	s23 =	simm.s32 $0x4040  }
0x63: {  	s24 =	simm.s32 $0xC040;
	v0 =	vld [tilespmem:s23+$0xFFFFFFC0]  }
0x64: {  	v1 =	vld [tilespmem:s24+$0xFFFFFFC0];
	_ =	sdelay $0x4  }
0x65: {  	v0 =	vadd.f32 v1, v0;
	_ =	sdelay $0x1  }
0x66: {  	[tilespmem:s23+$0xFFFFFFC0] =	vst v0;
	v0 =	vld [tilespmem:s23+$0xFFFFFFD0]  }
0x67: {  	v1 =	vld [tilespmem:s24+$0xFFFFFFD0];
	_ =	sdelay $0x4  }
0x68: {  	v0 =	vadd.f32 v1, v0;
	_ =	sdelay $0x1  }
0x69: {  	[tilespmem:s23+$0xFFFFFFD0] =	vst v0;
	v0 =	vld [tilespmem:s23+$0xFFFFFFE0]  }
0x6a: {  	v1 =	vld [tilespmem:s24+$0xFFFFFFE0];
	_ =	sdelay $0x4  }
0x6b: {  	v0 =	vadd.f32 v1, v0;
	_ =	sdelay $0x1  }
0x6c: {  	[tilespmem:s23+$0xFFFFFFE0] =	vst v0;
	v0 =	vld [tilespmem:s23+$0xFFFFFFF0]  }
0x6d: {  	v1 =	vld [tilespmem:s24+$0xFFFFFFF0];
	_ =	sdelay $0x4  }
0x6e: {  	v0 =	vadd.f32 v1, v0;
	_ =	sdelay $0x1  }
0x6f: {  	[tilespmem:s23+$0xFFFFFFF0] =	vst v0;
	v0 =	vld [tilespmem:s23+$0x0]  }
0x70: {  	v1 =	vld [tilespmem:s24+$0x0];
	_ =	sdelay $0x4  }
0x71: {  	v0 =	vadd.f32 v1, v0;
	_ =	sdelay $0x1  }
0x72: {  	[tilespmem:s23+$0x0] =	vst v0;
	v0 =	vld [tilespmem:s23+$0x10]  }
0x73: {  	v1 =	vld [tilespmem:s24+$0x10];
	_ =	sdelay $0x4  }
0x74: {  	v0 =	vadd.f32 v1, v0;
	_ =	sdelay $0x1  }
0x75: {  	[tilespmem:s23+$0x10] =	vst v0;
	v0 =	vld [tilespmem:s23+$0x20]  }
0x76: {  	v1 =	vld [tilespmem:s24+$0x20];
	_ =	sdelay $0x4  }
0x77: {  	v0 =	vadd.f32 v1, v0;
	_ =	sdelay $0x1  }
0x78: {  	[tilespmem:s23+$0x20] =	vst v0;
	v0 =	vld [tilespmem:s23+$0x30]  }
0x79: {  	v1 =	vld [tilespmem:s24+$0x30];
	_ =	sdelay $0x4  }
0x7a: {  	v0 =	vadd.f32 v1, v0  }
0x7b: {  	s26 =	simm.s32 $0x40C0;
	s25 =	simm.s32 $0x0  }
.LBB2_5:
0x7c: {  	v1 =	vld [tilespmem:s26+$0xFFFFFFC0];
	[tilespmem:s23+$0x30] =	vst v0;
	s24 =	sadd.s32 $0x80, s24;
	s23 =	smov.u32 s26  }
0x7d: {  	s25 =	sadd.s32 $0x8, s25;
	v0 =	vld [tilespmem:s24+$0xFFFFFFC0]  }
0x7e: {  	p0 =	slt.u32 s25, $0x3F8;
	_ =	sdelay $0x3  }
0x7f: {  	v0 =	vadd.f32 v0, v1;
	_ =	sdelay $0x1  }
0x80: {  	[tilespmem:s26+$0xFFFFFFC0] =	vst v0;
	v0 =	vld [tilespmem:s26+$0xFFFFFFD0]  }
0x81: {  	v1 =	vld [tilespmem:s24+$0xFFFFFFD0];
	_ =	sdelay $0x4  }
0x82: {  	v0 =	vadd.f32 v1, v0;
	_ =	sdelay $0x1  }
0x83: {  	[tilespmem:s26+$0xFFFFFFD0] =	vst v0;
	v0 =	vld [tilespmem:s26+$0xFFFFFFE0]  }
0x84: {  	v1 =	vld [tilespmem:s24+$0xFFFFFFE0];
	_ =	sdelay $0x4  }
0x85: {  	v0 =	vadd.f32 v1, v0;
	_ =	sdelay $0x1  }
0x86: {  	[tilespmem:s26+$0xFFFFFFE0] =	vst v0;
	v0 =	vld [tilespmem:s26+$0xFFFFFFF0]  }
0x87: {  	v1 =	vld [tilespmem:s24+$0xFFFFFFF0];
	_ =	sdelay $0x4  }
0x88: {  	v0 =	vadd.f32 v1, v0;
	_ =	sdelay $0x1  }
0x89: {  	[tilespmem:s26+$0xFFFFFFF0] =	vst v0;
	v0 =	vld [tilespmem:s26+$0x0]  }
0x8a: {  	v1 =	vld [tilespmem:s24+$0x0];
	_ =	sdelay $0x4  }
0x8b: {  	v0 =	vadd.f32 v1, v0;
	_ =	sdelay $0x1  }
0x8c: {  	[tilespmem:s26+$0x0] =	vst v0;
	v0 =	vld [tilespmem:s26+$0x10]  }
0x8d: {  	v1 =	vld [tilespmem:s24+$0x10];
	_ =	sdelay $0x4  }
0x8e: {  	v0 =	vadd.f32 v1, v0;
	_ =	sdelay $0x1  }
0x8f: {  	[tilespmem:s26+$0x10] =	vst v0;
	v0 =	vld [tilespmem:s26+$0x20]  }
0x90: {  	v1 =	vld [tilespmem:s24+$0x20];
	_ =	sdelay $0x4  }
0x91: {  	v0 =	vadd.f32 v1, v0;
	_ =	sdelay $0x1  }
0x92: {  	[tilespmem:s26+$0x20] =	vst v0;
	v0 =	vld [tilespmem:s26+$0x30]  }
0x93: {  	v1 =	vld [tilespmem:s24+$0x30];
	_ =	sdelay $0x1  }
.Ltmp1:
0x94: {  	(pc) =	sbr.rel @p0 .LBB2_5-.Ltmp1, $3  }
0x95: {  	_ =	sdelay $0x1  }
0x96: {  	v0 =	vadd.f32 v1, v0  }
0x97: {  	s26 =	sadd.s32 $0x80, s26  }
0x98: {  	s21 =	sadd.s32 $0x1, s21  }
0x99: {  	p0 =	sne.s32 s21, $0x8  }
.Ltmp2:
0x9a: {  	_ = 	snop;
	(pc) =	sbr.rel @p0 .LBB2_2-.Ltmp2, $3  }
0x9b: {  	_ =	sdelay $0x1  }
0x9c: {  	[tilespmem:s23+$0x30] =	vst v0;
	s22 =	sadd.s32 s7, s22  }
0x9d: {  	[hbm4b:s22+s3] =	stream.linear.scatter [tilespmem:s14], [sflag:$0x6], $0x4000, $0x38;
	[tilespmem:$0x10000] =	vst v63  }
0x9e: {  	s20 =	sadd.s32 $0x1, s20  }
0x9f: {  	p0 =	sne.s32 s20, s10  }
.Ltmp3:
0xa0: {  	_ = 	snop;
	(pc) =	sbr.rel @p0 .LBB2_1-.Ltmp3, $4  }
0xa1: {  	_ = 	snop  }
0xa2: {  	_ =	swait.ge [sflag:s19], $0x4000  }
0xa3: {  	[sflag:s19] =	ssyncset.done $0x0  }
0xa4: {  	[sflag:s19] =	ssyncadd.s32 $0xFFFFC000  }
0xa5: {  	_ =	sfence.sel $0x180000  }
0xa6: {  	[bflag:$0x0] =	sbarrier.arrive $0xFFFF  }
0xa7: {  	p0 =	sne.s32 s2, $0x0;
	_ =	strace $0x9000004D  }
0xa8: {  	s0 =	sadd.s32 @!p0 $0x100000, s0;
	[bflag:$0x2] =	sbarrier.arrive $0xFFFF  }
0xa9: {  	[sflag:s0] =	ssyncadd.tile.s32 @!p0 $0x1;
	_ =	shalt  }
.Lfunc_end2:
_tile_overlayer_lowered:
.L_overlay_start_2:
0xaa: {  	(tag) =	ssettag $0x2  }
0xab: {  	s0 =	rddreg [dreg:$0x0];
	s2 =	stileid.u32  }
0xac: {  	s1 =	rddreg [dreg:$0x1];
	p0 =	sne.s32 s2, $0x0  }
0xad: {  	s3 =	rddreg [dreg:$0x2];
	[bflag:$0x3] =	sbarrier.arrive $0xFFFF;
	s2 =	simm.s32 @!p0 $0x1C07  }
0xae: {  	[timem:s3], [sflag:s2] =	dma.local @!p0 [hbm:s0], s1  }
0xaf: {  	s0 =	simm.s32 @!p0 $0x7  }
0xb0: {  	_ =	swait.ge @!p0 [sflag:s0], s1  }
0xb1: {  	s1 =	ssub.s32 @!p0 $0x0, s1;
	[sflag:s0] =	ssyncset.done @!p0 $0x0  }
0xb2: {  	[sflag:s0] =	ssyncadd.s32 @!p0 s1  }
0xb3: {  	[bflag:$0x3] =	sbarrier.arrive $0xFFFF  }
0xb4: {  	_ =	shalt  }

// kernel: sparse-core-data-format-call.1.cloned.1.call-start
scs
called_computation.1_lowered:
.L_overlay_start_0:
0x0: {  	s2 =	sld [smem:$0x3FD9]  }
0x1: {  	s3 =	sld [smem:$0x3FFE];
	_ =	sdelay $0x1  }
0x2: {  	s1 =	srdreg.scid  }
0x3: {  	s0 =	sand.u32 $0x1, s1  }
0x4: {  	s19 =	sshll.u32 s0, $0xA;
	s2 =	sadd.s32 s3, s2  }
0x5: {  	s2 =	sadd.s32 s2, s19  }
0x6: {  	[smem:$0x3FC6] =	sst s2  }
0x7: {  	_ = 	snop  }
0x8: {  	s20 =	sld [smem:$0x3FC9]  }
0x9: {  	s4 =	sld [smem:$0x3FD0];
	(tm) =	ssettm $0x1  }
0xa: {  	s21 =	sld [smem:$0x3FFB];
	_ =	sdelay $0x3  }
0xb: {  	_ =	strace s21  }
0xc: {  	s2 =	sld [smem:$0x3FFC];
	_ =	sdelay $0x3  }
0xd: {  	_ =	strace s2  }
0xe: {  	s2 =	sld [smem:$0x3FFD];
	_ =	sdelay $0x3  }
0xf: {  	_ =	strace s2  }
0x10: {  	_ =	strace $0x8FFFFFFF  }
0x11: {  	s22 =	sld [smem:$0x3FDB];
	_ =	sdelay $0x1  }
0x12: {  	s5 =	simm.s32 $_scs_section_size  }
0x13: {  	s6 =	simm.s32 $_size__tile_overlayer_lowered;
	s7 =	simm.s32 $_tile_overlayer_lowered  }
0x14: {  	s8 =	simm.s32 $0x1BFF;
	s23 =	sshll.u32 s7, $0x1;
	s5 =	sadd.s32 s5, s22  }
0x15: {  	s24 =	simm.s32 $0x0;
	s6 =	sshll.u32 s6, $0x1;
	s7 =	sadd.s32 s23, s5  }
0x16: {  	[timem:s24], [sflag:s8] =	dma.local [hbm:s7], s6  }
0x17: {  	_ =	swait.ge [sflag:s8], s6  }
0x18: {  	s6 =	ssub.s32 $0x0, s6;
	[sflag:s8] =	ssyncset.done $0x0  }
0x19: {  	[sflag:s8] =	ssyncadd.s32 s6;
	_ =	sdelay $0x1  }
0x1a: {  	s25 =	simm.s32 $0x1B8B  }
0x1b: {  	_ =	swait.ge [sflag:s25], $0x1  }
0x1c: {  	[sflag:s25] =	ssyncset.done $0x0  }
0x1d: {  	[sflag:s25] =	ssyncadd.s32 $0xFFFFFFFF  }
0x1e: {  	s6 =	sld [smem:$0x0]  }
0x1f: {  	s7 =	sand.u32 $0xFFFFFFFE, s1  }
0x20: {  	p0 =	sne.s32 s1, s7  }
0x21: {  	s7 =	sshll.u32 @p0 s7, $0xE  }
0x22: {  	s7 =	sadd.s32 @p0 $0x11B8D, s7;
	s8 =	sshll.u32 @p0 s6, $0x11  }
0x23: {  	s7 =	sor.u32 @p0 s8, s7  }
0x24: {  	[sflag:s7] =	ssyncadd.remote.s32 @p0 $0x1;
	_ =	sdelay $0x1  }
0x25: {  	s7 =	simm.s32 @p0 $0x1B8D  }
0x26: {  	_ =	swait.eq @p0 [sflag:s7], $0x1  }
0x27: {  	[sflag:s7] =	ssyncadd.s32 @p0 $0xFFFFFFFF  }
0x28: {  	s8 =	sshll.u32 @!p0 s1, $0xE  }
0x29: {  	s8 =	sor.u32 @!p0 $0x4000, s8;
	s7 =	simm.s32 @!p0 $0x1B8D  }
0x2a: {  	s6 =	sshll.u32 @!p0 s6, $0x11;
	s8 =	sadd.s32 @!p0 $0x11B8D, s8;
	_ =	swait.eq @!p0 [sflag:s7], $0x1  }
0x2b: {  	s6 =	sor.u32 @!p0 s6, s8;
	[sflag:s7] =	ssyncadd.s32 @!p0 $0xFFFFFFFF  }
0x2c: {  	s26 =	simm.s32 $0x1B8E;
	[sflag:s6] =	ssyncadd.remote.s32 @!p0 $0x1  }
0x2d: {  	s27 =	simm.s32 $execute0_lowered;
	[smem:$0x3FD2] =	sst s26  }
0x2e: {  	s6 =	sshll.u32 s27, $0x1;
	_ =	strace $0x80000049;
	[dreg:$0x1] =	wrdreg $0xFFFFFFFF  }
0x2f: {  	s28 =	simm.s32 $_size_execute0_lowered;
	s5 =	sadd.s32 s5, s6;
	[dreg:$0x0] =	wrdreg $0x0  }
0x30: {  	s6 =	sshll.u32 s28, $0x1;
	[dreg:$0x2] =	wrdreg s5  }
0x31: {  	[dreg:$0x3] =	wrdreg s6  }
0x32: {  	[dreg:$0x4] =	wrdreg $0xC0  }
0x33: {  	_ =	task [dreg:s24], $0x5FFFF  }
0x34: {  	[dreg:$0x1] =	wrdreg $0xFFFFFFFF  }
0x35: {  	[dreg:$0x0] =	wrdreg $0x60  }
0x36: {  	[dreg:$0x2] =	wrdreg s20  }
0x37: {  	[dreg:$0x3] =	wrdreg s4  }
0x38: {  	[dreg:$0x4] =	wrdreg $0xA  }
0x39: {  	_ =	task.clear_ibuf [dreg:s24], $0x5FFFF;
	_ =	strace $0x90000049  }
0x3a: {  	s29 =	simm.s32 $0xA;
	_ =	strace $0x8000004B  }
0x3b: {  	_ =	swait.ge [sflag:s29], $0x1  }
0x3c: {  	[sflag:s29] =	ssyncadd.s32 $0xFFFFFFFF  }
0x3d: {  	_ =	strace $0x9000004B  }
0x3e: {  	_ =	sfence  }
0x3f: {  	s30 =	sld [smem:$0x0];
	_ =	sdelay $0x2  }
0x40: {  	s31 =	sshll.u32 s1, $0xD;
	s1 =	sshrl.u32 s1, $0x2  }
0x41: {  	s4 =	sand.u32 $0x4000, s31;
	s1 =	sadd.s32 s1, s30  }
0x42: {  	s0 =	sor.u32 s4, s0;
	s1 =	sshll.u32 s1, $0x11  }
0x43: {  	s0 =	sor.u32 s1, s0  }
0x44: {  	s0 =	sadd.s32 $0x8F2B, s0  }
0x45: {  	[sflag:s0] =	ssyncadd.remote.s32 $0x1  }
0x46: {  	_ =	sfence.sel $0xFFFF  }
0x47: {  	[dreg:$0x0] =	wrdreg $0xFFFFFFFF;
	(pc) =	sbr.abs _section_cstart, $3  }
0x48: {  	[dreg:$0x1] =	wrdreg $0xFFFFFFFF  }
0x49: {  	_ =	task.clear_ibuf [dreg:s24], $0x2FFFF;
	_ =	strace $0x9FFFFFFF  }
0x4a: {  	(tm) =	ssettm $0x7FFFFFFF  }
0x4b: {  	_ =	shalt  }
tec
execute0_lowered:
.L_overlay_start_1:
0x0: {  	(tag) =	ssettag $0x1  }
0x1: {  	s0 =	srdreg.scid  }
0x2: {  	s1 =	sshll.u32 s0, $0x4  }
0x3: {  	s2 =	rddreg [dreg:$0x0];
	s0 =	stileid.u32;
	s1 =	sand.u32 $0x10, s1  }
0x4: {  	s4 =	rddreg [dreg:$0x1];
	s1 =	sor.u32 s0, s1  }
0x5: {  	s7 =	simm.s32 $0x1;
	s8 =	simm.s32 $0x2;
	s3 =	sshll.u32 s1, $0x1  }
0x6: {  	s9 =	simm.s32 $0x0;
	s12 =	simm.s32 $0x0;
	s6 =	ssub.s32 $0x1000, s3  }
.Ltmp0:
0x7: {  	s11 =	simm.s32 $0x0;
	s5 =	sand.u32 $0x3E, s6;
	(pc) =	sbr.rel .LBB1_1-.Ltmp0, $4  }
0x8: {  	s1 =	rddreg [dreg:$0x2];
	_ =	strace $0x8000004A;
	p0 =	sne.s32 s5, $0x0  }
0x9: {  	s6 =	sshrl.u32 s6, $0x6;
	s5 =	simm.s32 $0x1;
	s7 =	simm.s32 @!p0 $0x0  }
0xa: {  	s10 =	smov.u32 s3;
	[sflag:s5] =	ssyncpa.u1 $0x0;
	s6 =	sadd.s32 s7, s6  }
0xb: {  	[sflag:s8] =	ssyncpa.u1 $0x0;
	s8 =	simm.s32 $0x0;
	s7 =	sadd.s32 $0x1, s6  }
.LBB1_9:
0xc: {  	s14 =	sadd.s32 $0x40, s10  }
0xd: {  	p1 =	sgt.s32 s14, $0xFFF  }
0xe: {  	s14 =	smov.u32 @p1 s3;
	p1 =	sne.s32 s11, s7  }
.Ltmp1:
0xf: {  	p0 =	slt.u32 s11, $0x2;
	(pc) =	sbr.rel @!p1 .LBB1_10-.Ltmp1, $4  }
0x10: {  	s13 =	simm.s32 @!p0 $0x2  }
0x11: {  	s15 =	sadd.s32 $0x1, s11;
	_ =	swait.ge @!p0 [sflag:s13], $0x4000  }
0x12: {  	s12 =	smov.u32 s10;
	s9 =	sadd.s32 $0x4000, s9;
	[sflag:s13] =	ssyncset.done @!p0 $0x0  }
0x13: {  	s11 =	smov.u32 s15;
	s10 =	smov.u32 s14;
	[sflag:s13] =	ssyncadd.s32 @!p0 $0xFFFFC000  }
.LBB1_1:
0x14: {  	p0 =	sge.u32 s11, s6  }
0x15: {  	s13 =	sxor.u32 @!p0 $0xFFFFFFFF, s11  }
0x16: {  	s31 =	sadd.s32 $0xFFFFFFFF, s11;
	s14 =	sshll.u32 @!p0 s10, $0xA;
	s13 =	sshll.u32 @!p0 s13, $0xE  }
0x17: {  	s15 =	simm.s32 @!p0 $0x0;
	s14 =	sadd.s32 @!p0 s2, s14;
	s13 =	sand.u32 @!p0 $0x4000, s13  }
0x18: {  	[tilespmem:s13], [sflag:$0x1] =	stream.linear.gather @!p0 [hbm4b:s14+s15], $0x4000, $0x38;
	[tilespmem:$0x10000] =	vst v63  }
0x19: {  	p0 =	sge.u32 s31, s6  }
.Ltmp2:
0x1a: {  	_ = 	snop;
	(pc) =	sbr.rel @p0 .LBB1_9-.Ltmp2, $1  }
0x1b: {  	_ =	sdelay $0x3  }
0x1c: {  	s13 =	sshll.u32 s9, $0x2  }
0x1d: {  	_ =	swait.ge [sflag:s5], $0x4000;
	s14 =	sshll.u32 s11, $0xE;
	s16 =	simm.s32 $0x0  }
0x1e: {  	p1 =	por $0x1, $0x1;
	s13 =	sand.u32 $0x10000, s13;
	[sflag:s5] =	ssyncset.done $0x0  }
0x1f: {  	s14 =	sand.u32 $0x4000, s14;
	s15 =	sshrl.u32 s13, $0x2;
	[sflag:s5] =	ssyncadd.s32 $0xFFFFC000  }
0x20: {  	s13 =	sor.u32 $0x8000, s14;
	s14 =	sadd.s32 $0x8040, s15;
	s15 =	sadd.s32 $0x40, s15  }
.LBB1_3:
0x21: {  	s16 =	sshll.u32 s16, $0x2  }
0x22: {  	p0 =	por p1, p1;
	s17 =	sshra.s32 s16, $0x2  }
0x23: {  	s18 =	simm.s32 $0x0;
	s16 =	sadd.s32 s17, s14;
	s17 =	sadd.s32 s17, s15  }
.LBB1_4:
0x24: {  	v0 =	vmov s17;
	_ =	sdelay $0x3  }
0x25: {  	s20 =	simm.s32 $0x0  }
0x26: {  	v6 =	vld.idx.msk [tilespmem:v0+s20+$0x30 ss:$0x1], $0xffff  }
0x27: {  	v7 =	vld.idx.msk [tilespmem:v0+s20+$0xFFFFFFC0 ss:$0x1], $0xffff  }
0x28: {  	v5 =	vld.idx.msk [tilespmem:v0+s20+$0xFFFFFFD0 ss:$0x1], $0xffff  }
0x29: {  	v4 =	vld.idx.msk [tilespmem:v0+s20+$0xFFFFFFE0 ss:$0x1], $0xffff  }
0x2a: {  	v3 =	vld.idx.msk [tilespmem:v0+s20+$0xFFFFFFF0 ss:$0x1], $0xffff  }
0x2b: {  	v1 =	vld.idx.msk [tilespmem:v0+s20+$0x0 ss:$0x1], $0xffff  }
0x2c: {  	v2 =	vld.idx.msk [tilespmem:v0+s20+$0x10 ss:$0x1], $0xffff;
	[tilespmem:s16+$0x30] =	vst v6  }
0x2d: {  	s19 =	simm.s32 $0x80;
	s21 =	simm.s32 $0x400;
	[tilespmem:s16+$0xFFFFFFC0] =	vst v7;
	v6 =	vld.idx.msk [tilespmem:v0+s20+$0x20 ss:$0x1], $0xffff;
	s20 =	smov.u32 s16  }
.LBB1_5:
0x2e: {  	p1 =	sne.s32 s21, $0xE00;
	v7 =	vld.idx.msk [tilespmem:v0+s19+$0x30 ss:$0x1], $0xffff;
	[tilespmem:s20+$0xFFFFFFD0] =	vst v5  }
0x2f: {  	v8 =	vld.idx.msk [tilespmem:v0+s19+$0xFFFFFFC0 ss:$0x1], $0xffff;
	[tilespmem:s20+$0xFFFFFFE0] =	vst v4  }
0x30: {  	v5 =	vld.idx.msk [tilespmem:v0+s19+$0xFFFFFFD0 ss:$0x1], $0xffff;
	[tilespmem:s20+$0xFFFFFFF0] =	vst v3  }
.Ltmp3:
0x31: {  	v4 =	vld.idx.msk [tilespmem:v0+s19+$0xFFFFFFE0 ss:$0x1], $0xffff;
	[tilespmem:s20+$0x0] =	vst v1;
	(pc) =	sbr.rel @p1 .LBB1_5-.Ltmp3, $4  }
0x32: {  	v3 =	vld.idx.msk [tilespmem:v0+s19+$0xFFFFFFF0 ss:$0x1], $0xffff;
	[tilespmem:s20+$0x10] =	vst v2  }
0x33: {  	v1 =	vld.idx.msk [tilespmem:v0+s19+$0x0 ss:$0x1], $0xffff;
	[tilespmem:s20+$0x20] =	vst v6;
	s20 =	sadd.s32 $0x400, s20  }
0x34: {  	v2 =	vld.idx.msk [tilespmem:v0+s19+$0x10 ss:$0x1], $0xffff;
	[tilespmem:s20+$0x30] =	vst v7  }
0x35: {  	[tilespmem:s20+$0xFFFFFFC0] =	vst v8;
	v6 =	vld.idx.msk [tilespmem:v0+s19+$0x20 ss:$0x1], $0xffff;
	s19 =	sshra.s32 s21, $0x2;
	s21 =	sadd.s32 $0x200, s21  }
0x36: {  	_ =	sdelay $0x2  }
0x37: {  	[tilespmem:s20+$0xFFFFFFD0] =	vst v5  }
0x38: {  	v56 =	vld.idx.msk [tilespmem:v0+s19+$0x30 ss:$0x1], $0xffff;
	[tilespmem:s20+$0xFFFFFFE0] =	vst v4  }
0x39: {  	v57 =	vld.idx.msk [tilespmem:v0+s19+$0xFFFFFFC0 ss:$0x1], $0xffff;
	[tilespmem:s20+$0xFFFFFFF0] =	vst v3  }
0x3a: {  	v58 =	vld.idx.msk [tilespmem:v0+s19+$0xFFFFFFD0 ss:$0x1], $0xffff;
	[tilespmem:s20+$0x0] =	vst v1  }
0x3b: {  	v59 =	vld.idx.msk [tilespmem:v0+s19+$0xFFFFFFE0 ss:$0x1], $0xffff;
	[tilespmem:s20+$0x10] =	vst v2  }
0x3c: {  	v60 =	vld.idx.msk [tilespmem:v0+s19+$0xFFFFFFF0 ss:$0x1], $0xffff;
	s31 =	sadd.s32 $0x400, s20;
	[tilespmem:s20+$0x20] =	vst v6  }
0x3d: {  	v61 =	vld.idx.msk [tilespmem:v0+s19+$0x0 ss:$0x1], $0xffff;
	[tilespmem:s31+$0x30] =	vst v56  }
0x3e: {  	v62 =	vld.idx.msk [tilespmem:v0+s19+$0x10 ss:$0x1], $0xffff;
	s18 =	sadd.s32 $0x1, s18;
	[tilespmem:s31+$0xFFFFFFC0] =	vst v57  }
0x3f: {  	v63 =	vld.idx.msk [tilespmem:v0+s19+$0x20 ss:$0x1], $0xffff;
	p1 =	sne.s32 s18, $0x8;
	[tilespmem:s31+$0xFFFFFFD0] =	vst v58  }
.Ltmp4:
0x40: {  	[tilespmem:s31+$0xFFFFFFE0] =	vst v59;
	(pc) =	sbr.rel @p1 .LBB1_4-.Ltmp4, $4  }
0x41: {  	[tilespmem:s31+$0xFFFFFFF0] =	vst v60  }
0x42: {  	[tilespmem:s31+$0x0] =	vst v61  }
0x43: {  	[tilespmem:s31+$0x10] =	vst v62  }
0x44: {  	s16 =	sadd.s32 $0x80, s16;
	s17 =	sadd.s32 $0x400, s17;
	[tilespmem:s31+$0x20] =	vst v63  }
.Ltmp5:
0x45: {  	(pc) =	sbr.rel @p0 .LBB1_3-.Ltmp5, $2  }
0x46: {  	_ =	sdelay $0x2  }
0x47: {  	s16 =	simm.s32 $0x2000;
	p1 =	por $0x0, $0x0  }
.Ltmp6:
0x48: {  	(pc) =	sbr.rel .LBB1_9-.Ltmp6, $4  }
0x49: {  	_ = 	snop  }
0x4a: {  	s12 =	sshll.u32 s12, $0xA  }
0x4b: {  	s12 =	sadd.s32 s4, s12  }
0x4c: {  	[hbm4b:s12+s8] =	stream.linear.scatter [tilespmem:s13], [sflag:$0x2], $0x4000, $0x38;
	[tilespmem:$0x10000] =	vst v63  }
.LBB1_10:
0x4d: {  	_ =	sfence.sel $0x180000  }
0x4e: {  	s2 =	simm.s32 $0x1;
	[bflag:$0x0] =	sbarrier.arrive $0xFFFF  }
0x4f: {  	s31 =	simm.s32 $0x2;
	[sflag:s2] =	ssyncpa.u1 $0x1  }
0x50: {  	[sflag:s31] =	ssyncpa.u1 $0x1  }
0x51: {  	p0 =	sne.s32 s0, $0x0;
	_ =	strace $0x9000004A  }
0x52: {  	s0 =	sadd.s32 @!p0 $0x100000, s1;
	[bflag:$0x2] =	sbarrier.arrive $0xFFFF  }
0x53: {  	[sflag:s0] =	ssyncadd.tile.s32 @!p0 $0x1;
	_ =	shalt  }
.Lfunc_end1:
_tile_overlayer_lowered:
.L_overlay_start_2:
0x54: {  	(tag) =	ssettag $0x2  }
0x55: {  	s0 =	rddreg [dreg:$0x0];
	s2 =	stileid.u32  }
0x56: {  	s1 =	rddreg [dreg:$0x1];
	p0 =	sne.s32 s2, $0x0  }
0x57: {  	s3 =	rddreg [dreg:$0x2];
	[bflag:$0x3] =	sbarrier.arrive $0xFFFF;
	s2 =	simm.s32 @!p0 $0x1C01  }
0x58: {  	[timem:s3], [sflag:s2] =	dma.local @!p0 [hbm:s0], s1  }
0x59: {  	s0 =	simm.s32 @!p0 $0x1  }
0x5a: {  	_ =	swait.ge @!p0 [sflag:s0], s1  }
0x5b: {  	s1 =	ssub.s32 @!p0 $0x0, s1;
	[sflag:s0] =	ssyncset.done @!p0 $0x0  }
0x5c: {  	[sflag:s0] =	ssyncadd.s32 @!p0 s1  }
0x5d: {  	[bflag:$0x3] =	sbarrier.arrive $0xFFFF  }
0x5e: {  	_ =	shalt  }

// kernel: sparse-core-data-format-call.cloned.1.call-start
scs
called_computation_lowered:
.L_overlay_start_0:
0x0: {  	s2 =	sld [smem:$0x3FD9]  }
0x1: {  	s3 =	sld [smem:$0x3FFE];
	_ =	sdelay $0x1  }
0x2: {  	s1 =	srdreg.scid  }
0x3: {  	s0 =	sand.u32 $0x1, s1  }
0x4: {  	s18 =	sshll.u32 s0, $0xA;
	s2 =	sadd.s32 s3, s2  }
0x5: {  	s2 =	sadd.s32 s2, s18  }
0x6: {  	[smem:$0x3FC6] =	sst s2  }
0x7: {  	_ = 	snop  }
0x8: {  	s2 =	sld [smem:$0x3FC8];
	(tm) =	ssettm $0x1  }
0x9: {  	s19 =	sld [smem:$0x3FFB];
	_ =	sdelay $0x3  }
0xa: {  	_ =	strace s19  }
0xb: {  	s3 =	sld [smem:$0x3FFC];
	_ =	sdelay $0x3  }
0xc: {  	_ =	strace s3  }
0xd: {  	s3 =	sld [smem:$0x3FFD];
	_ =	sdelay $0x3  }
0xe: {  	_ =	strace s3  }
0xf: {  	_ =	strace $0x8FFFFFFF  }
0x10: {  	s20 =	sld [smem:$0x3FDB];
	_ =	sdelay $0x1  }
0x11: {  	s4 =	simm.s32 $_scs_section_size  }
0x12: {  	s5 =	simm.s32 $_size__tile_overlayer_lowered;
	s6 =	simm.s32 $_tile_overlayer_lowered  }
0x13: {  	s23 =	simm.s32 $0x1BFF;
	s22 =	sshll.u32 s6, $0x1;
	s3 =	sadd.s32 s4, s20  }
0x14: {  	s7 =	simm.s32 $0x0;
	s21 =	sshll.u32 s5, $0x1;
	s5 =	sadd.s32 s22, s3  }
0x15: {  	[timem:s7], [sflag:s23] =	dma.local [hbm:s5], s21  }
0x16: {  	_ =	swait.ge [sflag:s23], s21  }
0x17: {  	s4 =	ssub.s32 $0x0, s21;
	[sflag:s23] =	ssyncset.done $0x0  }
0x18: {  	[sflag:s23] =	ssyncadd.s32 s4;
	_ =	sdelay $0x1  }
0x19: {  	s24 =	simm.s32 $0x1B8B  }
0x1a: {  	_ =	swait.ge [sflag:s24], $0x1  }
0x1b: {  	[sflag:s24] =	ssyncset.done $0x0  }
0x1c: {  	s26 =	simm.s32 $0x1B8E;
	s25 =	sld [smem:$0x3FFE];
	[sflag:s24] =	ssyncadd.s32 $0xFFFFFFFF  }
0x1d: {  	s27 =	simm.s32 $execute0_lowered;
	[smem:$0x3FD2] =	sst s26  }
0x1e: {  	s5 =	sshll.u32 s27, $0x1;
	_ =	strace $0x80000046;
	[dreg:$0x1] =	wrdreg $0xFFFFFFFF  }
0x1f: {  	s28 =	simm.s32 $_size_execute0_lowered;
	s3 =	sadd.s32 s3, s5;
	[dreg:$0x0] =	wrdreg $0x0  }
0x20: {  	s5 =	sshll.u32 s28, $0x1;
	[dreg:$0x2] =	wrdreg s3  }
0x21: {  	[dreg:$0x3] =	wrdreg s5  }
0x22: {  	[dreg:$0x4] =	wrdreg $0xC0  }
0x23: {  	_ =	task [dreg:s7], $0x5FFFF  }
0x24: {  	[dreg:$0x1] =	wrdreg $0xFFFFFFFF  }
0x25: {  	[dreg:$0x0] =	wrdreg $0x60  }
0x26: {  	[dreg:$0x2] =	wrdreg s2  }
0x27: {  	[dreg:$0x3] =	wrdreg s25  }
0x28: {  	[dreg:$0x4] =	wrdreg $0x9  }
0x29: {  	_ =	task.clear_ibuf [dreg:s7], $0x5FFFF;
	_ =	strace $0x90000046  }
0x2a: {  	s29 =	simm.s32 $0x9;
	_ =	strace $0x80000048  }
0x2b: {  	_ =	swait.ge [sflag:s29], $0x1  }
0x2c: {  	[sflag:s29] =	ssyncadd.s32 $0xFFFFFFFF  }
0x2d: {  	_ =	strace $0x90000048  }
0x2e: {  	_ =	sfence  }
0x2f: {  	s30 =	sld [smem:$0x0];
	_ =	sdelay $0x2  }
0x30: {  	s31 =	sshll.u32 s1, $0xD;
	s1 =	sshrl.u32 s1, $0x2  }
0x31: {  	s3 =	sand.u32 $0x4000, s31;
	s1 =	sadd.s32 s1, s30  }
0x32: {  	s0 =	sor.u32 s3, s0;
	s1 =	sshll.u32 s1, $0x11  }
0x33: {  	s0 =	sor.u32 s1, s0  }
0x34: {  	s0 =	sadd.s32 $0x8F2B, s0  }
0x35: {  	[sflag:s0] =	ssyncadd.remote.s32 $0x1  }
0x36: {  	_ =	sfence.sel $0xFFFF  }
0x37: {  	[dreg:$0x0] =	wrdreg $0xFFFFFFFF;
	(pc) =	sbr.abs _section_cstart, $3  }
0x38: {  	[dreg:$0x1] =	wrdreg $0xFFFFFFFF  }
0x39: {  	_ =	task.clear_ibuf [dreg:s7], $0x2FFFF;
	_ =	strace $0x9FFFFFFF  }
0x3a: {  	(tm) =	ssettm $0x7FFFFFFF  }
0x3b: {  	_ =	shalt  }
tec
execute0_lowered:
.L_overlay_start_1:
0x0: {  	(tag) =	ssettag $0x1  }
0x1: {  	s0 =	srdreg.scid  }
0x2: {  	s1 =	sshll.u32 s0, $0x4  }
0x3: {  	s2 =	rddreg [dreg:$0x0];
	s0 =	stileid.u32;
	s1 =	sand.u32 $0x10, s1  }
0x4: {  	s4 =	rddreg [dreg:$0x1];
	s7 =	simm.s32 $0x1;
	s1 =	sor.u32 s0, s1  }
0x5: {  	s8 =	simm.s32 $0x2;
	s9 =	simm.s32 $0x0;
	s3 =	sshll.u32 s1, $0x1  }
0x6: {  	s12 =	simm.s32 $0x0;
	s11 =	simm.s32 $0x0;
	s6 =	ssub.s32 $0x400, s3  }
.Ltmp0:
0x7: {  	s4 =	sadd.s32 $0xC00, s4;
	s5 =	sand.u32 $0x3E, s6;
	(pc) =	sbr.rel .LBB1_1-.Ltmp0, $4  }
0x8: {  	s1 =	rddreg [dreg:$0x2];
	_ =	strace $0x80000047;
	p0 =	sne.s32 s5, $0x0  }
0x9: {  	s6 =	sshrl.u32 s6, $0x6;
	s5 =	simm.s32 $0x1;
	s7 =	simm.s32 @!p0 $0x0  }
0xa: {  	s10 =	smov.u32 s3;
	[sflag:s5] =	ssyncpa.u1 $0x0;
	s6 =	sadd.s32 s7, s6  }
0xb: {  	[sflag:s8] =	ssyncpa.u1 $0x0;
	s8 =	simm.s32 $0x0;
	s7 =	sadd.s32 $0x1, s6  }
.LBB1_9:
0xc: {  	s14 =	sadd.s32 $0x40, s10  }
0xd: {  	p1 =	sgt.s32 s14, $0x3FF  }
0xe: {  	s14 =	smov.u32 @p1 s3;
	p1 =	sne.s32 s11, s7  }
.Ltmp1:
0xf: {  	p0 =	slt.u32 s11, $0x2;
	(pc) =	sbr.rel @!p1 .LBB1_10-.Ltmp1, $4  }
0x10: {  	s13 =	simm.s32 @!p0 $0x2  }
0x11: {  	s15 =	sadd.s32 $0x1, s11;
	_ =	swait.ge @!p0 [sflag:s13], $0x4000  }
0x12: {  	s12 =	smov.u32 s10;
	s9 =	sadd.s32 $0x4000, s9;
	[sflag:s13] =	ssyncset.done @!p0 $0x0  }
0x13: {  	s11 =	smov.u32 s15;
	s10 =	smov.u32 s14;
	[sflag:s13] =	ssyncadd.s32 @!p0 $0xFFFFC000  }
.LBB1_1:
0x14: {  	p0 =	sge.u32 s11, s6  }
0x15: {  	s13 =	sxor.u32 @!p0 $0xFFFFFFFF, s11  }
0x16: {  	s31 =	sadd.s32 $0xFFFFFFFF, s11;
	s14 =	sshll.u32 @!p0 s10, $0xA;
	s13 =	sshll.u32 @!p0 s13, $0xE  }
0x17: {  	s15 =	simm.s32 @!p0 $0x0;
	s14 =	sadd.s32 @!p0 s2, s14;
	s13 =	sand.u32 @!p0 $0x4000, s13  }
0x18: {  	[tilespmem:s13], [sflag:$0x1] =	stream.linear.gather @!p0 [hbm4b:s14+s15], $0x4000, $0x38;
	[tilespmem:$0x10000] =	vst v63  }
0x19: {  	p0 =	sge.u32 s31, s6  }
.Ltmp2:
0x1a: {  	_ = 	snop;
	(pc) =	sbr.rel @p0 .LBB1_9-.Ltmp2, $1  }
0x1b: {  	_ =	sdelay $0x3  }
0x1c: {  	s13 =	sshll.u32 s9, $0x2  }
0x1d: {  	_ =	swait.ge [sflag:s5], $0x4000;
	s14 =	sshll.u32 s11, $0xE;
	s16 =	simm.s32 $0x0  }
0x1e: {  	p1 =	por $0x1, $0x1;
	s13 =	sand.u32 $0x10000, s13;
	[sflag:s5] =	ssyncset.done $0x0  }
0x1f: {  	s14 =	sand.u32 $0x4000, s14;
	s15 =	sshrl.u32 s13, $0x2;
	[sflag:s5] =	ssyncadd.s32 $0xFFFFC000  }
0x20: {  	s13 =	sor.u32 $0x8000, s14;
	s14 =	sadd.s32 $0x8040, s15;
	s15 =	sadd.s32 $0x40, s15  }
.LBB1_3:
0x21: {  	s16 =	sshll.u32 s16, $0x2  }
0x22: {  	p0 =	por p1, p1;
	s17 =	sshra.s32 s16, $0x2  }
0x23: {  	s18 =	simm.s32 $0x0;
	s16 =	sadd.s32 s17, s14;
	s17 =	sadd.s32 s17, s15  }
.LBB1_4:
0x24: {  	v0 =	vmov s17;
	_ =	sdelay $0x3  }
0x25: {  	s20 =	simm.s32 $0x0  }
0x26: {  	v6 =	vld.idx.msk [tilespmem:v0+s20+$0x30 ss:$0x1], $0xffff  }
0x27: {  	v7 =	vld.idx.msk [tilespmem:v0+s20+$0xFFFFFFC0 ss:$0x1], $0xffff  }
0x28: {  	v5 =	vld.idx.msk [tilespmem:v0+s20+$0xFFFFFFD0 ss:$0x1], $0xffff  }
0x29: {  	v4 =	vld.idx.msk [tilespmem:v0+s20+$0xFFFFFFE0 ss:$0x1], $0xffff  }
0x2a: {  	v3 =	vld.idx.msk [tilespmem:v0+s20+$0xFFFFFFF0 ss:$0x1], $0xffff  }
0x2b: {  	v1 =	vld.idx.msk [tilespmem:v0+s20+$0x0 ss:$0x1], $0xffff  }
0x2c: {  	v2 =	vld.idx.msk [tilespmem:v0+s20+$0x10 ss:$0x1], $0xffff;
	[tilespmem:s16+$0x30] =	vst v6  }
0x2d: {  	s19 =	simm.s32 $0x80;
	s21 =	simm.s32 $0x400;
	[tilespmem:s16+$0xFFFFFFC0] =	vst v7;
	v6 =	vld.idx.msk [tilespmem:v0+s20+$0x20 ss:$0x1], $0xffff;
	s20 =	smov.u32 s16  }
.LBB1_5:
0x2e: {  	p1 =	sne.s32 s21, $0xE00;
	v7 =	vld.idx.msk [tilespmem:v0+s19+$0x30 ss:$0x1], $0xffff;
	[tilespmem:s20+$0xFFFFFFD0] =	vst v5  }
0x2f: {  	v8 =	vld.idx.msk [tilespmem:v0+s19+$0xFFFFFFC0 ss:$0x1], $0xffff;
	[tilespmem:s20+$0xFFFFFFE0] =	vst v4  }
0x30: {  	v5 =	vld.idx.msk [tilespmem:v0+s19+$0xFFFFFFD0 ss:$0x1], $0xffff;
	[tilespmem:s20+$0xFFFFFFF0] =	vst v3  }
.Ltmp3:
0x31: {  	v4 =	vld.idx.msk [tilespmem:v0+s19+$0xFFFFFFE0 ss:$0x1], $0xffff;
	[tilespmem:s20+$0x0] =	vst v1;
	(pc) =	sbr.rel @p1 .LBB1_5-.Ltmp3, $4  }
0x32: {  	v3 =	vld.idx.msk [tilespmem:v0+s19+$0xFFFFFFF0 ss:$0x1], $0xffff;
	[tilespmem:s20+$0x10] =	vst v2  }
0x33: {  	v1 =	vld.idx.msk [tilespmem:v0+s19+$0x0 ss:$0x1], $0xffff;
	[tilespmem:s20+$0x20] =	vst v6;
	s20 =	sadd.s32 $0x400, s20  }
0x34: {  	v2 =	vld.idx.msk [tilespmem:v0+s19+$0x10 ss:$0x1], $0xffff;
	[tilespmem:s20+$0x30] =	vst v7  }
0x35: {  	[tilespmem:s20+$0xFFFFFFC0] =	vst v8;
	v6 =	vld.idx.msk [tilespmem:v0+s19+$0x20 ss:$0x1], $0xffff;
	s19 =	sshra.s32 s21, $0x2;
	s21 =	sadd.s32 $0x200, s21  }
0x36: {  	_ =	sdelay $0x2  }
0x37: {  	[tilespmem:s20+$0xFFFFFFD0] =	vst v5  }
0x38: {  	v56 =	vld.idx.msk [tilespmem:v0+s19+$0x30 ss:$0x1], $0xffff;
	[tilespmem:s20+$0xFFFFFFE0] =	vst v4  }
0x39: {  	v57 =	vld.idx.msk [tilespmem:v0+s19+$0xFFFFFFC0 ss:$0x1], $0xffff;
	[tilespmem:s20+$0xFFFFFFF0] =	vst v3  }
0x3a: {  	v58 =	vld.idx.msk [tilespmem:v0+s19+$0xFFFFFFD0 ss:$0x1], $0xffff;
	[tilespmem:s20+$0x0] =	vst v1  }
0x3b: {  	v59 =	vld.idx.msk [tilespmem:v0+s19+$0xFFFFFFE0 ss:$0x1], $0xffff;
	[tilespmem:s20+$0x10] =	vst v2  }
0x3c: {  	v60 =	vld.idx.msk [tilespmem:v0+s19+$0xFFFFFFF0 ss:$0x1], $0xffff;
	s31 =	sadd.s32 $0x400, s20;
	[tilespmem:s20+$0x20] =	vst v6  }
0x3d: {  	v61 =	vld.idx.msk [tilespmem:v0+s19+$0x0 ss:$0x1], $0xffff;
	[tilespmem:s31+$0x30] =	vst v56  }
0x3e: {  	v62 =	vld.idx.msk [tilespmem:v0+s19+$0x10 ss:$0x1], $0xffff;
	s18 =	sadd.s32 $0x1, s18;
	[tilespmem:s31+$0xFFFFFFC0] =	vst v57  }
0x3f: {  	v63 =	vld.idx.msk [tilespmem:v0+s19+$0x20 ss:$0x1], $0xffff;
	p1 =	sne.s32 s18, $0x8;
	[tilespmem:s31+$0xFFFFFFD0] =	vst v58  }
.Ltmp4:
0x40: {  	[tilespmem:s31+$0xFFFFFFE0] =	vst v59;
	(pc) =	sbr.rel @p1 .LBB1_4-.Ltmp4, $4  }
0x41: {  	[tilespmem:s31+$0xFFFFFFF0] =	vst v60  }
0x42: {  	[tilespmem:s31+$0x0] =	vst v61  }
0x43: {  	[tilespmem:s31+$0x10] =	vst v62  }
0x44: {  	s16 =	sadd.s32 $0x80, s16;
	s17 =	sadd.s32 $0x400, s17;
	[tilespmem:s31+$0x20] =	vst v63  }
.Ltmp5:
0x45: {  	(pc) =	sbr.rel @p0 .LBB1_3-.Ltmp5, $2  }
0x46: {  	_ =	sdelay $0x2  }
0x47: {  	s16 =	simm.s32 $0x2000;
	p1 =	por $0x0, $0x0  }
.Ltmp6:
0x48: {  	(pc) =	sbr.rel .LBB1_9-.Ltmp6, $4  }
0x49: {  	_ = 	snop  }
0x4a: {  	s12 =	sshll.u32 s12, $0xA  }
0x4b: {  	s12 =	sadd.s32 s4, s12  }
0x4c: {  	[hbm4b:s12+s8] =	stream.linear.scatter [tilespmem:s13], [sflag:$0x2], $0x4000, $0x38;
	[tilespmem:$0x10000] =	vst v63  }
.LBB1_10:
0x4d: {  	_ =	sfence.sel $0x180000  }
0x4e: {  	s2 =	simm.s32 $0x1;
	[bflag:$0x0] =	sbarrier.arrive $0xFFFF  }
0x4f: {  	s31 =	simm.s32 $0x2;
	[sflag:s2] =	ssyncpa.u1 $0x1  }
0x50: {  	[sflag:s31] =	ssyncpa.u1 $0x1  }
0x51: {  	p0 =	sne.s32 s0, $0x0;
	_ =	strace $0x90000047  }
0x52: {  	s0 =	sadd.s32 @!p0 $0x100000, s1;
	[bflag:$0x2] =	sbarrier.arrive $0xFFFF  }
0x53: {  	[sflag:s0] =	ssyncadd.tile.s32 @!p0 $0x1;
	_ =	shalt  }
.Lfunc_end1:
_tile_overlayer_lowered:
.L_overlay_start_2:
0x54: {  	(tag) =	ssettag $0x2  }
0x55: {  	s0 =	rddreg [dreg:$0x0];
	s2 =	stileid.u32  }
0x56: {  	s1 =	rddreg [dreg:$0x1];
	p0 =	sne.s32 s2, $0x0  }
0x57: {  	s3 =	rddreg [dreg:$0x2];
	[bflag:$0x3] =	sbarrier.arrive $0xFFFF;
	s2 =	simm.s32 @!p0 $0x1C01  }
0x58: {  	[timem:s3], [sflag:s2] =	dma.local @!p0 [hbm:s0], s1  }
0x59: {  	s0 =	simm.s32 @!p0 $0x1  }
0x5a: {  	_ =	swait.ge @!p0 [sflag:s0], s1  }
0x5b: {  	s1 =	ssub.s32 @!p0 $0x0, s1;
	[sflag:s0] =	ssyncset.done @!p0 $0x0  }
0x5c: {  	[sflag:s0] =	ssyncadd.s32 @!p0 s1  }
0x5d: {  	[bflag:$0x3] =	sbarrier.arrive $0xFFFF  }
0x5e: {  	_ =	shalt  }

</sc_bundles>
